<compile_context>
chip_gen: v7x
topology: tpu7x:2x2x1
jax: 0.10.2.dev20260603
libtpu: 0.0.44.dev20260713+nightly
codegen_flags: <defaults>
</compile_context>

<pallas_src>
import functools

import jax
import jax.numpy as jnp
from jax import lax
from jax.experimental import pallas as pl
from jax.experimental.pallas import tpu as pltpu
from jax.experimental.pallas import tpu_sc as plsc

VOCAB = 1000000
EMBED = 64
EPAD = 128
BATCH = 4096
SEQ = 200
TOTAL = BATCH * SEQ
NC = 2
NS = 16
NW = NC * NS
IPW = TOTAL // NW
G = 128
CHUNK = 256
NG = CHUNK // G
NCH = IPW // CHUNK
RB = 3
LOOKAHEAD = RB - 1

_mesh = plsc.VectorSubcoreMesh(core_axis_name="c", subcore_axis_name="s")


@functools.partial(
    pl.kernel,
    mesh=_mesh,
    out_type=jax.ShapeDtypeStruct((TOTAL, EPAD), jnp.float32),
    scratch_types=[
        pltpu.VMEM((IPW,), jnp.int32),
        pltpu.VMEM((RB, CHUNK, EPAD), jnp.float32),
        pltpu.SemaphoreType.DMA((RB, NG)),
        pltpu.SemaphoreType.DMA((RB,)),
    ],
    compiler_params=pltpu.CompilerParams(
        needs_layout_passes=False, use_tc_tiling_on_sc=False
    ),
)
def _embed(x_hbm, table_hbm, out_hbm, idx_v, rows_v, gsem, wsem):
    wid = lax.axis_index("s") * NC + lax.axis_index("c")
    i0 = wid * IPW

    zeros16 = jnp.zeros((16,), jnp.float32)
    lane = lax.iota(jnp.int32, 16)

    pltpu.sync_copy(x_hbm.at[pl.ds(i0, IPW)], idx_v)

    def fire_gather(i, r):
        for j in range(NG):
            pltpu.async_copy(
                table_hbm.at[idx_v.at[pl.ds(i * CHUNK + j * G, G)]],
                rows_v.at[r, pl.ds(j * G, G)],
                gsem.at[r, j],
            )

    def wait_gather(i, r):
        for j in range(NG):
            pltpu.make_async_copy(
                table_hbm.at[idx_v.at[pl.ds(i * CHUNK + j * G, G)]],
                rows_v.at[r, pl.ds(j * G, G)],
                gsem.at[r, j],
            ).wait()

    def fire_write(i, r):
        pltpu.async_copy(
            rows_v.at[r], out_hbm.at[pl.ds(i0 + i * CHUNK, CHUNK)], wsem.at[r]
        )

    def wait_write(i, r):
        pltpu.make_async_copy(
            rows_v.at[r], out_hbm.at[pl.ds(i0 + i * CHUNK, CHUNK)], wsem.at[r]
        ).wait()

    def fix(i, r):
        def fix_group(g, fcarry):
            idxv = idx_v[pl.ds(i * CHUNK + g * 16, 16)]
            m = idxv == 0
            nzero = plsc.all_reduce_population_count(m)

            @pl.when(nzero[0] > 0)
            def _zero_rows():
                rows16 = g * 16 + lane
                for c in range(EMBED):
                    plsc.store_scatter(
                        rows_v.at[r],
                        [rows16, jnp.full((16,), c, jnp.int32)],
                        zeros16,
                        mask=m,
                    )

            return fcarry

        lax.fori_loop(0, CHUNK // 16, fix_group, 0)

    for r in range(LOOKAHEAD):
        fire_gather(r, r)

    def body(i, carry):
        r = i % RB
        ia = i + LOOKAHEAD
        ra = ia % RB

        @pl.when(ia < NCH)
        def _ahead():
            @pl.when(ia >= RB)
            def _reuse_wait():
                wait_write(ia - RB, ra)

            fire_gather(ia, ra)

        wait_gather(i, r)
        fix(i, r)
        fire_write(i, r)
        return carry

    lax.fori_loop(0, NCH, body, 0)

    for r in range(RB):
        wait_write(NCH - RB + r, r)


def kernel(x, E):
    table = jnp.pad(E, ((0, 0), (0, EPAD - EMBED)))
    out = _embed(x.astype(jnp.int32).reshape(TOTAL), table)
    return out[:, :EMBED].reshape(BATCH, SEQ, EMBED)

# --- scband reference (transcript-rebuilt; emitter-appended) ---
"""Pipeline reference for scband-renembed-85040352461423 (READ-ONLY COPY).

The authoritative reference and input builder live on the scoring server;
editing this copy changes nothing except your own understanding.
"""

import jax, jax.numpy as jnp
import numpy as np

VOCAB = 1000000
EMBED = 64

def setup_inputs(seed: int = 0) -> dict:
    key = jax.random.key(seed)
    k1, k2 = jax.random.split(key)
    x = jax.random.randint(k1, (4096, 200), 0, VOCAB, dtype=jnp.int64 if jax.config.jax_enable_x64 else jnp.int32)
    E = jax.random.normal(k2, (VOCAB, EMBED), dtype=jnp.float32) * 0.1
    return {"x": x, "E": E}

def reference(x, E):
    # zero_mask: row 0 of the embedding table is zeroed (padding index),
    # exactly as in build(): E = E * zero_mask
    zero_mask = (jnp.arange(VOCAB) != 0).astype(jnp.float32)[:, None]
    E_masked = E * zero_mask
    # tf.nn.embedding_lookup -> gather along axis 0
    embeddings = jnp.take(E_masked, x, axis=0)
    return embeddings

if __name__ == "__main__":
    import jax
    _d = setup_inputs()
    print(jax.jit(kernel)(*tuple(_d.values())))

</pallas_src>

<mosaic_0001>
#map = affine_map<(d0, d1) -> (0)>
#map1 = affine_map<(d0, d1) -> (0, 0)>
module attributes {stable_mosaic.version = 14 : i64} {
  func.func @_embed(%arg0: i32, %arg1: i32, %arg2: memref<819200xi32, #tpu.memory_space<hbm>>, %arg3: memref<1000000x128xf32, #tpu.memory_space<hbm>>, %arg4: memref<819200x128xf32, #tpu.memory_space<hbm>>, %arg5: memref<25600xi32, #tpu.memory_space<vmem>>, %arg6: memref<3x256x128xf32, #tpu.memory_space<vmem>>, %arg7: memref<3x2x!tpu.dma_semaphore, #tpu.memory_space<semaphore_mem>>, %arg8: memref<3x!tpu.dma_semaphore, #tpu.memory_space<semaphore_mem>>) attributes {dimension_semantics = [#tpu.dimension_semantics<core_parallel>, #tpu.dimension_semantics<subcore_parallel>], iteration_bounds = array<i64: 2, 16>, scalar_prefetch = 0 : i64, scratch_operands = 4 : i64, tpu.core_type = #tpu.core_type<sc_vector_subcore>, window_params = [{transform_indices = #map}, {transform_indices = #map1}, {transform_indices = #map1}]} {
    %mul3A = arith.constant 2 : i32
    %mul3A_0 = arith.muli %arg1, %mul3A : i32
    %add3A = arith.addi %mul3A_0, %arg0 : i32
    %mul3A_1 = arith.constant 25600 : i32
    %mul3A_2 = arith.muli %add3A, %mul3A_1 : i32
    %broadcast_in_dim3A = arith.constant 0.000000e+00 : f32
    %broadcast_in_dim3A_3 = vector.broadcast %broadcast_in_dim3A : f32 to vector<16xf32>
    %iota3A = tpu.iota {dimensions = array<i32: 0>} : vector<16xi32>
    "tpu.region"() ({
      %run_scoped3A = tpu.sem_alloc : memref<!tpu.dma_semaphore, #tpu.memory_space<semaphore_mem>>
      %dma_start3A_117 = tpu.memref_slice %arg2[%mul3A_2] : memref<819200xi32, #tpu.memory_space<hbm>> -> memref<25600xi32, #tpu.memory_space<hbm>>
      %dma_start3A_118 = tpu.memref_slice %arg2[%mul3A_2] : memref<819200xi32, #tpu.memory_space<hbm>> -> memref<25600xi32, #tpu.memory_space<hbm>>
      tpu.enqueue_dma source(%dma_start3A_118 : memref<25600xi32, #tpu.memory_space<hbm>>) target(%arg5 : memref<25600xi32, #tpu.memory_space<vmem>>) target_semaphore(%run_scoped3A : memref<!tpu.dma_semaphore, #tpu.memory_space<semaphore_mem>>)
      %dma_wait3A_119 = tpu.memref_slice %arg2[%mul3A_2] : memref<819200xi32, #tpu.memory_space<hbm>> -> memref<25600xi32, #tpu.memory_space<hbm>>
      %dma_wait3A_120 = tpu.memref_slice %arg2[%mul3A_2] : memref<819200xi32, #tpu.memory_space<hbm>> -> memref<25600xi32, #tpu.memory_space<hbm>>
      tpu.wait_dma2 semaphore(%run_scoped3A : memref<!tpu.dma_semaphore, #tpu.memory_space<semaphore_mem>>) src(%dma_wait3A_120 : memref<25600xi32, #tpu.memory_space<hbm>>) dst(%arg5 : memref<25600xi32, #tpu.memory_space<vmem>>)
      tpu.yield
    }) : () -> ()
    %dma_start3A = arith.constant 0 : i32
    %dma_start3A_4 = arith.constant 0 : i32
    %dma_start3A_5 = arith.constant 0 : i32
    %dma_start3A_6 = arith.constant 0 : i32
    %dma_start3A_7 = arith.constant 0 : i32
    %dma_start3A_8 = tpu.memref_slice %arg6[%dma_start3A, %dma_start3A_6, %dma_start3A_7] : memref<3x256x128xf32, #tpu.memory_space<vmem>> -> memref<1x128x128xf32, #tpu.memory_space<vmem>>
    %dma_start3A_9 = tpu.memref_squeeze %dma_start3A_8 : memref<1x128x128xf32, #tpu.memory_space<vmem>> -> memref<128x128xf32, #tpu.memory_space<vmem>>
    %dma_start3A_10 = arith.constant 0 : i32
    %dma_start3A_11 = tpu.memref_slice %arg5[%dma_start3A_10] : memref<25600xi32, #tpu.memory_space<vmem>> -> memref<128xi32, #tpu.memory_space<vmem>>
    %dma_start3A_12 = arith.constant 0 : i32
    %dma_start3A_13 = arith.constant 0 : i32
    %dma_start3A_14 = tpu.memref_slice %arg3[%dma_start3A_12, %dma_start3A_13] : memref<1000000x128xf32, #tpu.memory_space<hbm>> -> memref<1000000x128xf32, #tpu.memory_space<hbm>>
    %dma_start3A_15 = tpu.memref_slice %arg7[%dma_start3A_4, %dma_start3A_5] : memref<3x2x!tpu.dma_semaphore, #tpu.memory_space<semaphore_mem>> -> memref<1x1x!tpu.dma_semaphore, #tpu.memory_space<semaphore_mem>>
    %dma_start3A_16 = tpu.memref_squeeze %dma_start3A_15 : memref<1x1x!tpu.dma_semaphore, #tpu.memory_space<semaphore_mem>> -> memref<!tpu.dma_semaphore, #tpu.memory_space<semaphore_mem>>
    tpu.enqueue_indirect_dma source(%dma_start3A_14 : memref<1000000x128xf32, #tpu.memory_space<hbm>>) target(%dma_start3A_9 : memref<128x128xf32, #tpu.memory_space<vmem>>) offsets(%dma_start3A_11 : memref<128xi32, #tpu.memory_space<vmem>>) semaphore(%dma_start3A_16 : memref<!tpu.dma_semaphore, #tpu.memory_space<semaphore_mem>>)
    %dma_start3A_17 = arith.constant 0 : i32
    %dma_start3A_18 = arith.constant 0 : i32
    %dma_start3A_19 = arith.constant 1 : i32
    %dma_start3A_20 = arith.constant 128 : i32
    %dma_start3A_21 = arith.constant 0 : i32
    %dma_start3A_22 = tpu.memref_slice %arg6[%dma_start3A_17, %dma_start3A_20, %dma_start3A_21] : memref<3x256x128xf32, #tpu.memory_space<vmem>> -> memref<1x128x128xf32, #tpu.memory_space<vmem>>
    %dma_start3A_23 = tpu.memref_squeeze %dma_start3A_22 : memref<1x128x128xf32, #tpu.memory_space<vmem>> -> memref<128x128xf32, #tpu.memory_space<vmem>>
    %dma_start3A_24 = arith.constant 128 : i32
    %dma_start3A_25 = tpu.memref_slice %arg5[%dma_start3A_24] : memref<25600xi32, #tpu.memory_space<vmem>> -> memref<128xi32, #tpu.memory_space<vmem>>
    %dma_start3A_26 = arith.constant 0 : i32
    %dma_start3A_27 = arith.constant 0 : i32
    %dma_start3A_28 = tpu.memref_slice %arg3[%dma_start3A_26, %dma_start3A_27] : memref<1000000x128xf32, #tpu.memory_space<hbm>> -> memref<1000000x128xf32, #tpu.memory_space<hbm>>
    %dma_start3A_29 = tpu.memref_slice %arg7[%dma_start3A_18, %dma_start3A_19] : memref<3x2x!tpu.dma_semaphore, #tpu.memory_space<semaphore_mem>> -> memref<1x1x!tpu.dma_semaphore, #tpu.memory_space<semaphore_mem>>
    %dma_start3A_30 = tpu.memref_squeeze %dma_start3A_29 : memref<1x1x!tpu.dma_semaphore, #tpu.memory_space<semaphore_mem>> -> memref<!tpu.dma_semaphore, #tpu.memory_space<semaphore_mem>>
    tpu.enqueue_indirect_dma source(%dma_start3A_28 : memref<1000000x128xf32, #tpu.memory_space<hbm>>) target(%dma_start3A_23 : memref<128x128xf32, #tpu.memory_space<vmem>>) offsets(%dma_start3A_25 : memref<128xi32, #tpu.memory_space<vmem>>) semaphore(%dma_start3A_30 : memref<!tpu.dma_semaphore, #tpu.memory_space<semaphore_mem>>)
    %dma_start3A_31 = arith.constant 1 : i32
    %dma_start3A_32 = arith.constant 1 : i32
    %dma_start3A_33 = arith.constant 0 : i32
    %dma_start3A_34 = arith.constant 0 : i32
    %dma_start3A_35 = arith.constant 0 : i32
    %dma_start3A_36 = tpu.memref_slice %arg6[%dma_start3A_31, %dma_start3A_34, %dma_start3A_35] : memref<3x256x128xf32, #tpu.memory_space<vmem>> -> memref<1x128x128xf32, #tpu.memory_space<vmem>>
    %dma_start3A_37 = tpu.memref_squeeze %dma_start3A_36 : memref<1x128x128xf32, #tpu.memory_space<vmem>> -> memref<128x128xf32, #tpu.memory_space<vmem>>
    %dma_start3A_38 = arith.constant 256 : i32
    %dma_start3A_39 = tpu.memref_slice %arg5[%dma_start3A_38] : memref<25600xi32, #tpu.memory_space<vmem>> -> memref<128xi32, #tpu.memory_space<vmem>>
    %dma_start3A_40 = arith.constant 0 : i32
    %dma_start3A_41 = arith.constant 0 : i32
    %dma_start3A_42 = tpu.memref_slice %arg3[%dma_start3A_40, %dma_start3A_41] : memref<1000000x128xf32, #tpu.memory_space<hbm>> -> memref<1000000x128xf32, #tpu.memory_space<hbm>>
    %dma_start3A_43 = tpu.memref_slice %arg7[%dma_start3A_32, %dma_start3A_33] : memref<3x2x!tpu.dma_semaphore, #tpu.memory_space<semaphore_mem>> -> memref<1x1x!tpu.dma_semaphore, #tpu.memory_space<semaphore_mem>>
    %dma_start3A_44 = tpu.memref_squeeze %dma_start3A_43 : memref<1x1x!tpu.dma_semaphore, #tpu.memory_space<semaphore_mem>> -> memref<!tpu.dma_semaphore, #tpu.memory_space<semaphore_mem>>
    tpu.enqueue_indirect_dma source(%dma_start3A_42 : memref<1000000x128xf32, #tpu.memory_space<hbm>>) target(%dma_start3A_37 : memref<128x128xf32, #tpu.memory_space<vmem>>) offsets(%dma_start3A_39 : memref<128xi32, #tpu.memory_space<vmem>>) semaphore(%dma_start3A_44 : memref<!tpu.dma_semaphore, #tpu.memory_space<semaphore_mem>>)
    %dma_start3A_45 = arith.constant 1 : i32
    %dma_start3A_46 = arith.constant 1 : i32
    %dma_start3A_47 = arith.constant 1 : i32
    %dma_start3A_48 = arith.constant 128 : i32
    %dma_start3A_49 = arith.constant 0 : i32
    %dma_start3A_50 = tpu.memref_slice %arg6[%dma_start3A_45, %dma_start3A_48, %dma_start3A_49] : memref<3x256x128xf32, #tpu.memory_space<vmem>> -> memref<1x128x128xf32, #tpu.memory_space<vmem>>
    %dma_start3A_51 = tpu.memref_squeeze %dma_start3A_50 : memref<1x128x128xf32, #tpu.memory_space<vmem>> -> memref<128x128xf32, #tpu.memory_space<vmem>>
    %dma_start3A_52 = arith.constant 384 : i32
    %dma_start3A_53 = tpu.memref_slice %arg5[%dma_start3A_52] : memref<25600xi32, #tpu.memory_space<vmem>> -> memref<128xi32, #tpu.memory_space<vmem>>
    %dma_start3A_54 = arith.constant 0 : i32
    %dma_start3A_55 = arith.constant 0 : i32
    %dma_start3A_56 = tpu.memref_slice %arg3[%dma_start3A_54, %dma_start3A_55] : memref<1000000x128xf32, #tpu.memory_space<hbm>> -> memref<1000000x128xf32, #tpu.memory_space<hbm>>
    %dma_start3A_57 = tpu.memref_slice %arg7[%dma_start3A_46, %dma_start3A_47] : memref<3x2x!tpu.dma_semaphore, #tpu.memory_space<semaphore_mem>> -> memref<1x1x!tpu.dma_semaphore, #tpu.memory_space<semaphore_mem>>
    %dma_start3A_58 = tpu.memref_squeeze %dma_start3A_57 : memref<1x1x!tpu.dma_semaphore, #tpu.memory_space<semaphore_mem>> -> memref<!tpu.dma_semaphore, #tpu.memory_space<semaphore_mem>>
    tpu.enqueue_indirect_dma source(%dma_start3A_56 : memref<1000000x128xf32, #tpu.memory_space<hbm>>) target(%dma_start3A_51 : memref<128x128xf32, #tpu.memory_space<vmem>>) offsets(%dma_start3A_53 : memref<128xi32, #tpu.memory_space<vmem>>) semaphore(%dma_start3A_58 : memref<!tpu.dma_semaphore, #tpu.memory_space<semaphore_mem>>)
    %scan3A = arith.constant 0 : i32
    %scan3A_59 = arith.constant 0 : i32
    %scan3A_60 = arith.constant 100 : i32
    %scan3A_61 = arith.addi %scan3A_59, %scan3A_60 : i32
    %scan3A_62 = arith.constant 1 : i32
    scf.for %scan3A_117 = %scan3A_59 to %scan3A_61 step %scan3A_62  : i32 {
      %jit3A = arith.constant 3 : i32
      %eq3A = arith.constant 0 : i32
      %eq3A_118 = arith.cmpi eq, %jit3A, %eq3A : i32
      %jit3A_119 = arith.constant 1 : i32
      %select_n3A = arith.select %eq3A_118, %jit3A_119, %jit3A : i32
      %rem3A = arith.remsi %scan3A_117, %select_n3A : i32
      %ne3A = arith.constant 0 : i32
      %ne3A_120 = arith.cmpi ne, %rem3A, %ne3A : i32
      %lt3A = arith.constant 0 : i32
      %lt3A_121 = arith.cmpi slt, %rem3A, %lt3A : i32
      %lt3A_122 = arith.constant 0 : i32
      %lt3A_123 = arith.cmpi slt, %select_n3A, %lt3A_122 : i32
      %ne3A_124 = arith.xori %lt3A_121, %lt3A_123 : i1
      %and3A = arith.andi %ne3A_124, %ne3A_120 : i1
      %add3A_125 = arith.addi %rem3A, %select_n3A : i32
      %select_n3A_126 = arith.select %and3A, %add3A_125, %rem3A : i32
      %add3A_127 = arith.constant 2 : i32
      %add3A_128 = arith.addi %scan3A_117, %add3A_127 : i32
      %jit3A_129 = arith.constant 3 : i32
      %eq3A_130 = arith.constant 0 : i32
      %eq3A_131 = arith.cmpi eq, %jit3A_129, %eq3A_130 : i32
      %jit3A_132 = arith.constant 1 : i32
      %select_n3A_133 = arith.select %eq3A_131, %jit3A_132, %jit3A_129 : i32
      %rem3A_134 = arith.remsi %add3A_128, %select_n3A_133 : i32
      %ne3A_135 = arith.constant 0 : i32
      %ne3A_136 = arith.cmpi ne, %rem3A_134, %ne3A_135 : i32
      %lt3A_137 = arith.constant 0 : i32
      %lt3A_138 = arith.cmpi slt, %rem3A_134, %lt3A_137 : i32
      %lt3A_139 = arith.constant 0 : i32
      %lt3A_140 = arith.cmpi slt, %select_n3A_133, %lt3A_139 : i32
      %ne3A_141 = arith.xori %lt3A_138, %lt3A_140 : i1
      %and3A_142 = arith.andi %ne3A_141, %ne3A_136 : i1
      %add3A_143 = arith.addi %rem3A_134, %select_n3A_133 : i32
      %select_n3A_144 = arith.select %and3A_142, %add3A_143, %rem3A_134 : i32
      %lt3A_145 = arith.constant 100 : i32
      %lt3A_146 = arith.cmpi slt, %add3A_128, %lt3A_145 : i32
      %convert_element_type3A = arith.extui %lt3A_146 : i1 to i32
      %cond3A = arith.constant 0 : i32
      %cond3A_147 = arith.cmpi ne, %convert_element_type3A, %cond3A : i32
      scf.if %cond3A_147 {
        %ge3A = arith.constant 3 : i32
        %ge3A_201 = arith.cmpi sge, %add3A_128, %ge3A : i32
        %convert_element_type3A_202 = arith.extui %ge3A_201 : i1 to i32
        %cond3A_203 = arith.constant 0 : i32
        %cond3A_204 = arith.cmpi ne, %convert_element_type3A_202, %cond3A_203 : i32
        scf.if %cond3A_204 {
          %sub3A = arith.constant 3 : i32
          %sub3A_235 = arith.subi %add3A_128, %sub3A : i32
          %mul3A_236 = arith.constant 256 : i32
          %mul3A_237 = arith.muli %sub3A_235, %mul3A_236 : i32
          %add3A_238 = arith.addi %mul3A_2, %mul3A_237 : i32
          %dma_wait3A_239 = arith.constant 0 : i32
          %dma_wait3A_240 = arith.constant 0 : i32
          %dma_wait3A_241 = tpu.memref_slice %arg6[%select_n3A_144, %dma_wait3A_239, %dma_wait3A_240] : memref<3x256x128xf32, #tpu.memory_space<vmem>> -> memref<1x256x128xf32, #tpu.memory_space<vmem>>
          %dma_wait3A_242 = tpu.memref_squeeze %dma_wait3A_241 : memref<1x256x128xf32, #tpu.memory_space<vmem>> -> memref<256x128xf32, #tpu.memory_space<vmem>>
          %dma_wait3A_243 = arith.constant 0 : i32
          %dma_wait3A_244 = tpu.memref_slice %arg4[%add3A_238, %dma_wait3A_243] : memref<819200x128xf32, #tpu.memory_space<hbm>> -> memref<256x128xf32, #tpu.memory_space<hbm>>
          %dma_wait3A_245 = tpu.memref_slice %arg8[%select_n3A_144] : memref<3x!tpu.dma_semaphore, #tpu.memory_space<semaphore_mem>> -> memref<1x!tpu.dma_semaphore, #tpu.memory_space<semaphore_mem>>
          %dma_wait3A_246 = tpu.memref_squeeze %dma_wait3A_245 : memref<1x!tpu.dma_semaphore, #tpu.memory_space<semaphore_mem>> -> memref<!tpu.dma_semaphore, #tpu.memory_space<semaphore_mem>>
          %dma_wait3A_247 = arith.constant 0 : i32
          %dma_wait3A_248 = tpu.memref_slice %arg4[%add3A_238, %dma_wait3A_247] : memref<819200x128xf32, #tpu.memory_space<hbm>> -> memref<256x128xf32, #tpu.memory_space<hbm>>
          %dma_wait3A_249 = arith.constant 0 : i32
          %dma_wait3A_250 = arith.constant 0 : i32
          %dma_wait3A_251 = tpu.memref_slice %arg6[%select_n3A_144, %dma_wait3A_249, %dma_wait3A_250] : memref<3x256x128xf32, #tpu.memory_space<vmem>> -> memref<1x256x128xf32, #tpu.memory_space<vmem>>
          %dma_wait3A_252 = tpu.memref_squeeze %dma_wait3A_251 : memref<1x256x128xf32, #tpu.memory_space<vmem>> -> memref<256x128xf32, #tpu.memory_space<vmem>>
          tpu.wait_dma2 semaphore(%dma_wait3A_246 : memref<!tpu.dma_semaphore, #tpu.memory_space<semaphore_mem>>) src(%dma_wait3A_252 : memref<256x128xf32, #tpu.memory_space<vmem>>) dst(%dma_wait3A_248 : memref<256x128xf32, #tpu.memory_space<hbm>>)
        } else {
        }
        %mul3A_205 = arith.constant 256 : i32
        %mul3A_206 = arith.muli %add3A_128, %mul3A_205 : i32
        %add3A_207 = arith.constant 0 : i32
        %add3A_208 = arith.addi %mul3A_206, %add3A_207 : i32
        %dma_start3A_209 = arith.constant 0 : i32
        %dma_start3A_210 = arith.constant 0 : i32
        %dma_start3A_211 = arith.constant 0 : i32
        %dma_start3A_212 = tpu.memref_slice %arg6[%select_n3A_144, %dma_start3A_210, %dma_start3A_211] : memref<3x256x128xf32, #tpu.memory_space<vmem>> -> memref<1x128x128xf32, #tpu.memory_space<vmem>>
        %dma_start3A_213 = tpu.memref_squeeze %dma_start3A_212 : memref<1x128x128xf32, #tpu.memory_space<vmem>> -> memref<128x128xf32, #tpu.memory_space<vmem>>
        %dma_start3A_214 = tpu.memref_slice %arg5[%add3A_208] : memref<25600xi32, #tpu.memory_space<vmem>> -> memref<128xi32, #tpu.memory_space<vmem>>
        %dma_start3A_215 = arith.constant 0 : i32
        %dma_start3A_216 = arith.constant 0 : i32
        %dma_start3A_217 = tpu.memref_slice %arg3[%dma_start3A_215, %dma_start3A_216] : memref<1000000x128xf32, #tpu.memory_space<hbm>> -> memref<1000000x128xf32, #tpu.memory_space<hbm>>
        %dma_start3A_218 = tpu.memref_slice %arg7[%select_n3A_144, %dma_start3A_209] : memref<3x2x!tpu.dma_semaphore, #tpu.memory_space<semaphore_mem>> -> memref<1x1x!tpu.dma_semaphore, #tpu.memory_space<semaphore_mem>>
        %dma_start3A_219 = tpu.memref_squeeze %dma_start3A_218 : memref<1x1x!tpu.dma_semaphore, #tpu.memory_space<semaphore_mem>> -> memref<!tpu.dma_semaphore, #tpu.memory_space<semaphore_mem>>
        tpu.enqueue_indirect_dma source(%dma_start3A_217 : memref<1000000x128xf32, #tpu.memory_space<hbm>>) target(%dma_start3A_213 : memref<128x128xf32, #tpu.memory_space<vmem>>) offsets(%dma_start3A_214 : memref<128xi32, #tpu.memory_space<vmem>>) semaphore(%dma_start3A_219 : memref<!tpu.dma_semaphore, #tpu.memory_space<semaphore_mem>>)
        %mul3A_220 = arith.constant 256 : i32
        %mul3A_221 = arith.muli %add3A_128, %mul3A_220 : i32
        %add3A_222 = arith.constant 128 : i32
        %add3A_223 = arith.addi %mul3A_221, %add3A_222 : i32
        %dma_start3A_224 = arith.constant 1 : i32
        %dma_start3A_225 = arith.constant 128 : i32
        %dma_start3A_226 = arith.constant 0 : i32
        %dma_start3A_227 = tpu.memref_slice %arg6[%select_n3A_144, %dma_start3A_225, %dma_start3A_226] : memref<3x256x128xf32, #tpu.memory_space<vmem>> -> memref<1x128x128xf32, #tpu.memory_space<vmem>>
        %dma_start3A_228 = tpu.memref_squeeze %dma_start3A_227 : memref<1x128x128xf32, #tpu.memory_space<vmem>> -> memref<128x128xf32, #tpu.memory_space<vmem>>
        %dma_start3A_229 = tpu.memref_slice %arg5[%add3A_223] : memref<25600xi32, #tpu.memory_space<vmem>> -> memref<128xi32, #tpu.memory_space<vmem>>
        %dma_start3A_230 = arith.constant 0 : i32
        %dma_start3A_231 = arith.constant 0 : i32
        %dma_start3A_232 = tpu.memref_slice %arg3[%dma_start3A_230, %dma_start3A_231] : memref<1000000x128xf32, #tpu.memory_space<hbm>> -> memref<1000000x128xf32, #tpu.memory_space<hbm>>
        %dma_start3A_233 = tpu.memref_slice %arg7[%select_n3A_144, %dma_start3A_224] : memref<3x2x!tpu.dma_semaphore, #tpu.memory_space<semaphore_mem>> -> memref<1x1x!tpu.dma_semaphore, #tpu.memory_space<semaphore_mem>>
        %dma_start3A_234 = tpu.memref_squeeze %dma_start3A_233 : memref<1x1x!tpu.dma_semaphore, #tpu.memory_space<semaphore_mem>> -> memref<!tpu.dma_semaphore, #tpu.memory_space<semaphore_mem>>
        tpu.enqueue_indirect_dma source(%dma_start3A_232 : memref<1000000x128xf32, #tpu.memory_space<hbm>>) target(%dma_start3A_228 : memref<128x128xf32, #tpu.memory_space<vmem>>) offsets(%dma_start3A_229 : memref<128xi32, #tpu.memory_space<vmem>>) semaphore(%dma_start3A_234 : memref<!tpu.dma_semaphore, #tpu.memory_space<semaphore_mem>>)
      } else {
      }
      %mul3A_148 = arith.constant 256 : i32
      %mul3A_149 = arith.muli %scan3A_117, %mul3A_148 : i32
      %add3A_150 = arith.constant 0 : i32
      %add3A_151 = arith.addi %mul3A_149, %add3A_150 : i32
      %dma_wait3A_152 = arith.constant 0 : i32
      %dma_wait3A_153 = arith.constant 0 : i32
      %dma_wait3A_154 = arith.constant 0 : i32
      %dma_wait3A_155 = tpu.memref_slice %arg6[%select_n3A_126, %dma_wait3A_153, %dma_wait3A_154] : memref<3x256x128xf32, #tpu.memory_space<vmem>> -> memref<1x128x128xf32, #tpu.memory_space<vmem>>
      %dma_wait3A_156 = tpu.memref_squeeze %dma_wait3A_155 : memref<1x128x128xf32, #tpu.memory_space<vmem>> -> memref<128x128xf32, #tpu.memory_space<vmem>>
      %dma_wait3A_157 = tpu.memref_slice %arg5[%add3A_151] : memref<25600xi32, #tpu.memory_space<vmem>> -> memref<128xi32, #tpu.memory_space<vmem>>
      %dma_wait3A_158 = arith.constant 0 : i32
      %dma_wait3A_159 = arith.constant 0 : i32
      %dma_wait3A_160 = tpu.memref_slice %arg3[%dma_wait3A_158, %dma_wait3A_159] : memref<1000000x128xf32, #tpu.memory_space<hbm>> -> memref<1000000x128xf32, #tpu.memory_space<hbm>>
      %dma_wait3A_161 = tpu.memref_slice %arg7[%select_n3A_126, %dma_wait3A_152] : memref<3x2x!tpu.dma_semaphore, #tpu.memory_space<semaphore_mem>> -> memref<1x1x!tpu.dma_semaphore, #tpu.memory_space<semaphore_mem>>
      %dma_wait3A_162 = tpu.memref_squeeze %dma_wait3A_161 : memref<1x1x!tpu.dma_semaphore, #tpu.memory_space<semaphore_mem>> -> memref<!tpu.dma_semaphore, #tpu.memory_space<semaphore_mem>>
      tpu.wait_indirect_dma semaphore(%dma_wait3A_162 : memref<!tpu.dma_semaphore, #tpu.memory_space<semaphore_mem>>) src(%dma_wait3A_160 : memref<1000000x128xf32, #tpu.memory_space<hbm>>) dst(%dma_wait3A_156 : memref<128x128xf32, #tpu.memory_space<vmem>>)
      %mul3A_163 = arith.constant 256 : i32
      %mul3A_164 = arith.muli %scan3A_117, %mul3A_163 : i32
      %add3A_165 = arith.constant 128 : i32
      %add3A_166 = arith.addi %mul3A_164, %add3A_165 : i32
      %dma_wait3A_167 = arith.constant 1 : i32
      %dma_wait3A_168 = arith.constant 128 : i32
      %dma_wait3A_169 = arith.constant 0 : i32
      %dma_wait3A_170 = tpu.memref_slice %arg6[%select_n3A_126, %dma_wait3A_168, %dma_wait3A_169] : memref<3x256x128xf32, #tpu.memory_space<vmem>> -> memref<1x128x128xf32, #tpu.memory_space<vmem>>
      %dma_wait3A_171 = tpu.memref_squeeze %dma_wait3A_170 : memref<1x128x128xf32, #tpu.memory_space<vmem>> -> memref<128x128xf32, #tpu.memory_space<vmem>>
      %dma_wait3A_172 = tpu.memref_slice %arg5[%add3A_166] : memref<25600xi32, #tpu.memory_space<vmem>> -> memref<128xi32, #tpu.memory_space<vmem>>
      %dma_wait3A_173 = arith.constant 0 : i32
      %dma_wait3A_174 = arith.constant 0 : i32
      %dma_wait3A_175 = tpu.memref_slice %arg3[%dma_wait3A_173, %dma_wait3A_174] : memref<1000000x128xf32, #tpu.memory_space<hbm>> -> memref<1000000x128xf32, #tpu.memory_space<hbm>>
      %dma_wait3A_176 = tpu.memref_slice %arg7[%select_n3A_126, %dma_wait3A_167] : memref<3x2x!tpu.dma_semaphore, #tpu.memory_space<semaphore_mem>> -> memref<1x1x!tpu.dma_semaphore, #tpu.memory_space<semaphore_mem>>
      %dma_wait3A_177 = tpu.memref_squeeze %dma_wait3A_176 : memref<1x1x!tpu.dma_semaphore, #tpu.memory_space<semaphore_mem>> -> memref<!tpu.dma_semaphore, #tpu.memory_space<semaphore_mem>>
      tpu.wait_indirect_dma semaphore(%dma_wait3A_177 : memref<!tpu.dma_semaphore, #tpu.memory_space<semaphore_mem>>) src(%dma_wait3A_175 : memref<1000000x128xf32, #tpu.memory_space<hbm>>) dst(%dma_wait3A_171 : memref<128x128xf32, #tpu.memory_space<vmem>>)
      %scan3A_178 = arith.constant 0 : i32
      %scan3A_179 = arith.constant 0 : i32
      %scan3A_180 = arith.constant 16 : i32
      %scan3A_181 = arith.addi %scan3A_179, %scan3A_180 : i32
      %scan3A_182 = arith.constant 1 : i32
      scf.for %scan3A_201 = %scan3A_179 to %scan3A_181 step %scan3A_182  : i32 {
        %mul3A_202 = arith.constant 256 : i32
        %mul3A_203 = arith.muli %scan3A_117, %mul3A_202 : i32
        %mul3A_204 = arith.constant 16 : i32
        %mul3A_205 = arith.muli %scan3A_201, %mul3A_204 : i32
        %add3A_206 = arith.addi %mul3A_203, %mul3A_205 : i32
        %get3A = arith.index_cast %add3A_206 : i32 to index
        %get3A_207 = tpu.vector_load %arg5[%get3A] {strides = array<i32>} : memref<25600xi32, #tpu.memory_space<vmem>>, vector<16xi32>,
        %eq3A_208 = arith.constant 0 : i32
        %eq3A_209 = vector.broadcast %eq3A_208 : i32 to vector<16xi32>
        %eq3A_210 = arith.cmpi eq, %get3A_207, %eq3A_209 : vector<16xi32>
        %all_reduce_population_count3A = tpu.all_reduce %eq3A_210 {dim = 0 : i64, kind = #tpu.reduction_kind<sum>} : vector<16xi1> -> vector<16xi32>
        %slice3A = vector.extract_strided_slice %all_reduce_population_count3A {offsets = [0], sizes = [1], strides = [1]} : vector<16xi32> to vector<1xi32>
        %squeeze3A = vector.extract %slice3A[0] : i32 from vector<1xi32>
        %gt3A = arith.constant 0 : i32
        %gt3A_211 = arith.cmpi sgt, %squeeze3A, %gt3A : i32
        %convert_element_type3A_212 = arith.extui %gt3A_211 : i1 to i32
        %cond3A_213 = arith.constant 0 : i32
        %cond3A_214 = arith.cmpi ne, %convert_element_type3A_212, %cond3A_213 : i32
        scf.if %cond3A_214 {
          %mul3A_215 = arith.constant 16 : i32
          %mul3A_216 = arith.muli %scan3A_201, %mul3A_215 : i32
          %add3A_217 = vector.broadcast %mul3A_216 : i32 to vector<16xi32>
          %add3A_218 = arith.addi %add3A_217, %iota3A : vector<16xi32>
          %broadcast_in_dim3A_219 = arith.constant 0 : i32
          %broadcast_in_dim3A_220 = vector.broadcast %broadcast_in_dim3A_219 : i32 to vector<16xi32>
          %scatter3A = arith.constant 0 : i32
          %scatter3A_221 = arith.constant 0 : i32
          %scatter3A_222 = tpu.memref_slice %arg6[%select_n3A_126, %scatter3A, %scatter3A_221] : memref<3x256x128xf32, #tpu.memory_space<vmem>> -> memref<1x256x128xf32, #tpu.memory_space<vmem>>
          %scatter3A_223 = tpu.memref_squeeze %scatter3A_222 : memref<1x256x128xf32, #tpu.memory_space<vmem>> -> memref<256x128xf32, #tpu.memory_space<vmem>>
          tpu.vector_store_idx %scatter3A_223[%add3A_218, %broadcast_in_dim3A_220], %broadcast_in_dim3A_3 masked %eq3A_210 : memref<256x128xf32, #tpu.memory_space<vmem>>[vector<16xi32>, vector<16xi32>], vector<16xf32>, vector<16xi1>
          %broadcast_in_dim3A_224 = arith.constant 1 : i32
          %broadcast_in_dim3A_225 = vector.broadcast %broadcast_in_dim3A_224 : i32 to vector<16xi32>
          %scatter3A_226 = arith.constant 0 : i32
          %scatter3A_227 = arith.constant 0 : i32
          %scatter3A_228 = tpu.memref_slice %arg6[%select_n3A_126, %scatter3A_226, %scatter3A_227] : memref<3x256x128xf32, #tpu.memory_space<vmem>> -> memref<1x256x128xf32, #tpu.memory_space<vmem>>
          %scatter3A_229 = tpu.memref_squeeze %scatter3A_228 : memref<1x256x128xf32, #tpu.memory_space<vmem>> -> memref<256x128xf32, #tpu.memory_space<vmem>>
          tpu.vector_store_idx %scatter3A_229[%add3A_218, %broadcast_in_dim3A_225], %broadcast_in_dim3A_3 masked %eq3A_210 : memref<256x128xf32, #tpu.memory_space<vmem>>[vector<16xi32>, vector<16xi32>], vector<16xf32>, vector<16xi1>
          %broadcast_in_dim3A_230 = arith.constant 2 : i32
          %broadcast_in_dim3A_231 = vector.broadcast %broadcast_in_dim3A_230 : i32 to vector<16xi32>
          %scatter3A_232 = arith.constant 0 : i32
          %scatter3A_233 = arith.constant 0 : i32
          %scatter3A_234 = tpu.memref_slice %arg6[%select_n3A_126, %scatter3A_232, %scatter3A_233] : memref<3x256x128xf32, #tpu.memory_space<vmem>> -> memref<1x256x128xf32, #tpu.memory_space<vmem>>
          %scatter3A_235 = tpu.memref_squeeze %scatter3A_234 : memref<1x256x128xf32, #tpu.memory_space<vmem>> -> memref<256x128xf32, #tpu.memory_space<vmem>>
          tpu.vector_store_idx %scatter3A_235[%add3A_218, %broadcast_in_dim3A_231], %broadcast_in_dim3A_3 masked %eq3A_210 : memref<256x128xf32, #tpu.memory_space<vmem>>[vector<16xi32>, vector<16xi32>], vector<16xf32>, vector<16xi1>
          %broadcast_in_dim3A_236 = arith.constant 3 : i32
          %broadcast_in_dim3A_237 = vector.broadcast %broadcast_in_dim3A_236 : i32 to vector<16xi32>
          %scatter3A_238 = arith.constant 0 : i32
          %scatter3A_239 = arith.constant 0 : i32
          %scatter3A_240 = tpu.memref_slice %arg6[%select_n3A_126, %scatter3A_238, %scatter3A_239] : memref<3x256x128xf32, #tpu.memory_space<vmem>> -> memref<1x256x128xf32, #tpu.memory_space<vmem>>
          %scatter3A_241 = tpu.memref_squeeze %scatter3A_240 : memref<1x256x128xf32, #tpu.memory_space<vmem>> -> memref<256x128xf32, #tpu.memory_space<vmem>>
          tpu.vector_store_idx %scatter3A_241[%add3A_218, %broadcast_in_dim3A_237], %broadcast_in_dim3A_3 masked %eq3A_210 : memref<256x128xf32, #tpu.memory_space<vmem>>[vector<16xi32>, vector<16xi32>], vector<16xf32>, vector<16xi1>
          %broadcast_in_dim3A_242 = arith.constant 4 : i32
          %broadcast_in_dim3A_243 = vector.broadcast %broadcast_in_dim3A_242 : i32 to vector<16xi32>
          %scatter3A_244 = arith.constant 0 : i32
          %scatter3A_245 = arith.constant 0 : i32
          %scatter3A_246 = tpu.memref_slice %arg6[%select_n3A_126, %scatter3A_244, %scatter3A_245] : memref<3x256x128xf32, #tpu.memory_space<vmem>> -> memref<1x256x128xf32, #tpu.memory_space<vmem>>
          %scatter3A_247 = tpu.memref_squeeze %scatter3A_246 : memref<1x256x128xf32, #tpu.memory_space<vmem>> -> memref<256x128xf32, #tpu.memory_space<vmem>>
          tpu.vector_store_idx %scatter3A_247[%add3A_218, %broadcast_in_dim3A_243], %broadcast_in_dim3A_3 masked %eq3A_210 : memref<256x128xf32, #tpu.memory_space<vmem>>[vector<16xi32>, vector<16xi32>], vector<16xf32>, vector<16xi1>
          %broadcast_in_dim3A_248 = arith.constant 5 : i32
          %broadcast_in_dim3A_249 = vector.broadcast %broadcast_in_dim3A_248 : i32 to vector<16xi32>
          %scatter3A_250 = arith.constant 0 : i32
          %scatter3A_251 = arith.constant 0 : i32
          %scatter3A_252 = tpu.memref_slice %arg6[%select_n3A_126, %scatter3A_250, %scatter3A_251] : memref<3x256x128xf32, #tpu.memory_space<vmem>> -> memref<1x256x128xf32, #tpu.memory_space<vmem>>
          %scatter3A_253 = tpu.memref_squeeze %scatter3A_252 : memref<1x256x128xf32, #tpu.memory_space<vmem>> -> memref<256x128xf32, #tpu.memory_space<vmem>>
          tpu.vector_store_idx %scatter3A_253[%add3A_218, %broadcast_in_dim3A_249], %broadcast_in_dim3A_3 masked %eq3A_210 : memref<256x128xf32, #tpu.memory_space<vmem>>[vector<16xi32>, vector<16xi32>], vector<16xf32>, vector<16xi1>
          %broadcast_in_dim3A_254 = arith.constant 6 : i32
          %broadcast_in_dim3A_255 = vector.broadcast %broadcast_in_dim3A_254 : i32 to vector<16xi32>
          %scatter3A_256 = arith.constant 0 : i32
          %scatter3A_257 = arith.constant 0 : i32
          %scatter3A_258 = tpu.memref_slice %arg6[%select_n3A_126, %scatter3A_256, %scatter3A_257] : memref<3x256x128xf32, #tpu.memory_space<vmem>> -> memref<1x256x128xf32, #tpu.memory_space<vmem>>
          %scatter3A_259 = tpu.memref_squeeze %scatter3A_258 : memref<1x256x128xf32, #tpu.memory_space<vmem>> -> memref<256x128xf32, #tpu.memory_space<vmem>>
          tpu.vector_store_idx %scatter3A_259[%add3A_218, %broadcast_in_dim3A_255], %broadcast_in_dim3A_3 masked %eq3A_210 : memref<256x128xf32, #tpu.memory_space<vmem>>[vector<16xi32>, vector<16xi32>], vector<16xf32>, vector<16xi1>
          %broadcast_in_dim3A_260 = arith.constant 7 : i32
          %broadcast_in_dim3A_261 = vector.broadcast %broadcast_in_dim3A_260 : i32 to vector<16xi32>
          %scatter3A_262 = arith.constant 0 : i32
          %scatter3A_263 = arith.constant 0 : i32
          %scatter3A_264 = tpu.memref_slice %arg6[%select_n3A_126, %scatter3A_262, %scatter3A_263] : memref<3x256x128xf32, #tpu.memory_space<vmem>> -> memref<1x256x128xf32, #tpu.memory_space<vmem>>
          %scatter3A_265 = tpu.memref_squeeze %scatter3A_264 : memref<1x256x128xf32, #tpu.memory_space<vmem>> -> memref<256x128xf32, #tpu.memory_space<vmem>>
          tpu.vector_store_idx %scatter3A_265[%add3A_218, %broadcast_in_dim3A_261], %broadcast_in_dim3A_3 masked %eq3A_210 : memref<256x128xf32, #tpu.memory_space<vmem>>[vector<16xi32>, vector<16xi32>], vector<16xf32>, vector<16xi1>
          %broadcast_in_dim3A_266 = arith.constant 8 : i32
          %broadcast_in_dim3A_267 = vector.broadcast %broadcast_in_dim3A_266 : i32 to vector<16xi32>
          %scatter3A_268 = arith.constant 0 : i32
          %scatter3A_269 = arith.constant 0 : i32
          %scatter3A_270 = tpu.memref_slice %arg6[%select_n3A_126, %scatter3A_268, %scatter3A_269] : memref<3x256x128xf32, #tpu.memory_space<vmem>> -> memref<1x256x128xf32, #tpu.memory_space<vmem>>
          %scatter3A_271 = tpu.memref_squeeze %scatter3A_270 : memref<1x256x128xf32, #tpu.memory_space<vmem>> -> memref<256x128xf32, #tpu.memory_space<vmem>>
          tpu.vector_store_idx %scatter3A_271[%add3A_218, %broadcast_in_dim3A_267], %broadcast_in_dim3A_3 masked %eq3A_210 : memref<256x128xf32, #tpu.memory_space<vmem>>[vector<16xi32>, vector<16xi32>], vector<16xf32>, vector<16xi1>
          %broadcast_in_dim3A_272 = arith.constant 9 : i32
          %broadcast_in_dim3A_273 = vector.broadcast %broadcast_in_dim3A_272 : i32 to vector<16xi32>
          %scatter3A_274 = arith.constant 0 : i32
          %scatter3A_275 = arith.constant 0 : i32
          %scatter3A_276 = tpu.memref_slice %arg6[%select_n3A_126, %scatter3A_274, %scatter3A_275] : memref<3x256x128xf32, #tpu.memory_space<vmem>> -> memref<1x256x128xf32, #tpu.memory_space<vmem>>
          %scatter3A_277 = tpu.memref_squeeze %scatter3A_276 : memref<1x256x128xf32, #tpu.memory_space<vmem>> -> memref<256x128xf32, #tpu.memory_space<vmem>>
          tpu.vector_store_idx %scatter3A_277[%add3A_218, %broadcast_in_dim3A_273], %broadcast_in_dim3A_3 masked %eq3A_210 : memref<256x128xf32, #tpu.memory_space<vmem>>[vector<16xi32>, vector<16xi32>], vector<16xf32>, vector<16xi1>
          %broadcast_in_dim3A_278 = arith.constant 10 : i32
          %broadcast_in_dim3A_279 = vector.broadcast %broadcast_in_dim3A_278 : i32 to vector<16xi32>
          %scatter3A_280 = arith.constant 0 : i32
          %scatter3A_281 = arith.constant 0 : i32
          %scatter3A_282 = tpu.memref_slice %arg6[%select_n3A_126, %scatter3A_280, %scatter3A_281] : memref<3x256x128xf32, #tpu.memory_space<vmem>> -> memref<1x256x128xf32, #tpu.memory_space<vmem>>
          %scatter3A_283 = tpu.memref_squeeze %scatter3A_282 : memref<1x256x128xf32, #tpu.memory_space<vmem>> -> memref<256x128xf32, #tpu.memory_space<vmem>>
          tpu.vector_store_idx %scatter3A_283[%add3A_218, %broadcast_in_dim3A_279], %broadcast_in_dim3A_3 masked %eq3A_210 : memref<256x128xf32, #tpu.memory_space<vmem>>[vector<16xi32>, vector<16xi32>], vector<16xf32>, vector<16xi1>
          %broadcast_in_dim3A_284 = arith.constant 11 : i32
          %broadcast_in_dim3A_285 = vector.broadcast %broadcast_in_dim3A_284 : i32 to vector<16xi32>
          %scatter3A_286 = arith.constant 0 : i32
          %scatter3A_287 = arith.constant 0 : i32
          %scatter3A_288 = tpu.memref_slice %arg6[%select_n3A_126, %scatter3A_286, %scatter3A_287] : memref<3x256x128xf32, #tpu.memory_space<vmem>> -> memref<1x256x128xf32, #tpu.memory_space<vmem>>
          %scatter3A_289 = tpu.memref_squeeze %scatter3A_288 : memref<1x256x128xf32, #tpu.memory_space<vmem>> -> memref<256x128xf32, #tpu.memory_space<vmem>>
          tpu.vector_store_idx %scatter3A_289[%add3A_218, %broadcast_in_dim3A_285], %broadcast_in_dim3A_3 masked %eq3A_210 : memref<256x128xf32, #tpu.memory_space<vmem>>[vector<16xi32>, vector<16xi32>], vector<16xf32>, vector<16xi1>
          %broadcast_in_dim3A_290 = arith.constant 12 : i32
          %broadcast_in_dim3A_291 = vector.broadcast %broadcast_in_dim3A_290 : i32 to vector<16xi32>
          %scatter3A_292 = arith.constant 0 : i32
          %scatter3A_293 = arith.constant 0 : i32
          %scatter3A_294 = tpu.memref_slice %arg6[%select_n3A_126, %scatter3A_292, %scatter3A_293] : memref<3x256x128xf32, #tpu.memory_space<vmem>> -> memref<1x256x128xf32, #tpu.memory_space<vmem>>
          %scatter3A_295 = tpu.memref_squeeze %scatter3A_294 : memref<1x256x128xf32, #tpu.memory_space<vmem>> -> memref<256x128xf32, #tpu.memory_space<vmem>>
          tpu.vector_store_idx %scatter3A_295[%add3A_218, %broadcast_in_dim3A_291], %broadcast_in_dim3A_3 masked %eq3A_210 : memref<256x128xf32, #tpu.memory_space<vmem>>[vector<16xi32>, vector<16xi32>], vector<16xf32>, vector<16xi1>
          %broadcast_in_dim3A_296 = arith.constant 13 : i32
          %broadcast_in_dim3A_297 = vector.broadcast %broadcast_in_dim3A_296 : i32 to vector<16xi32>
          %scatter3A_298 = arith.constant 0 : i32
          %scatter3A_299 = arith.constant 0 : i32
          %scatter3A_300 = tpu.memref_slice %arg6[%select_n3A_126, %scatter3A_298, %scatter3A_299] : memref<3x256x128xf32, #tpu.memory_space<vmem>> -> memref<1x256x128xf32, #tpu.memory_space<vmem>>
          %scatter3A_301 = tpu.memref_squeeze %scatter3A_300 : memref<1x256x128xf32, #tpu.memory_space<vmem>> -> memref<256x128xf32, #tpu.memory_space<vmem>>
          tpu.vector_store_idx %scatter3A_301[%add3A_218, %broadcast_in_dim3A_297], %broadcast_in_dim3A_3 masked %eq3A_210 : memref<256x128xf32, #tpu.memory_space<vmem>>[vector<16xi32>, vector<16xi32>], vector<16xf32>, vector<16xi1>
          %broadcast_in_dim3A_302 = arith.constant 14 : i32
          %broadcast_in_dim3A_303 = vector.broadcast %broadcast_in_dim3A_302 : i32 to vector<16xi32>
          %scatter3A_304 = arith.constant 0 : i32
          %scatter3A_305 = arith.constant 0 : i32
          %scatter3A_306 = tpu.memref_slice %arg6[%select_n3A_126, %scatter3A_304, %scatter3A_305] : memref<3x256x128xf32, #tpu.memory_space<vmem>> -> memref<1x256x128xf32, #tpu.memory_space<vmem>>
          %scatter3A_307 = tpu.memref_squeeze %scatter3A_306 : memref<1x256x128xf32, #tpu.memory_space<vmem>> -> memref<256x128xf32, #tpu.memory_space<vmem>>
          tpu.vector_store_idx %scatter3A_307[%add3A_218, %broadcast_in_dim3A_303], %broadcast_in_dim3A_3 masked %eq3A_210 : memref<256x128xf32, #tpu.memory_space<vmem>>[vector<16xi32>, vector<16xi32>], vector<16xf32>, vector<16xi1>
          %broadcast_in_dim3A_308 = arith.constant 15 : i32
          %broadcast_in_dim3A_309 = vector.broadcast %broadcast_in_dim3A_308 : i32 to vector<16xi32>
          %scatter3A_310 = arith.constant 0 : i32
          %scatter3A_311 = arith.constant 0 : i32
          %scatter3A_312 = tpu.memref_slice %arg6[%select_n3A_126, %scatter3A_310, %scatter3A_311] : memref<3x256x128xf32, #tpu.memory_space<vmem>> -> memref<1x256x128xf32, #tpu.memory_space<vmem>>
          %scatter3A_313 = tpu.memref_squeeze %scatter3A_312 : memref<1x256x128xf32, #tpu.memory_space<vmem>> -> memref<256x128xf32, #tpu.memory_space<vmem>>
          tpu.vector_store_idx %scatter3A_313[%add3A_218, %broadcast_in_dim3A_309], %broadcast_in_dim3A_3 masked %eq3A_210 : memref<256x128xf32, #tpu.memory_space<vmem>>[vector<16xi32>, vector<16xi32>], vector<16xf32>, vector<16xi1>
          %broadcast_in_dim3A_314 = arith.constant 16 : i32
          %broadcast_in_dim3A_315 = vector.broadcast %broadcast_in_dim3A_314 : i32 to vector<16xi32>
          %scatter3A_316 = arith.constant 0 : i32
          %scatter3A_317 = arith.constant 0 : i32
          %scatter3A_318 = tpu.memref_slice %arg6[%select_n3A_126, %scatter3A_316, %scatter3A_317] : memref<3x256x128xf32, #tpu.memory_space<vmem>> -> memref<1x256x128xf32, #tpu.memory_space<vmem>>
          %scatter3A_319 = tpu.memref_squeeze %scatter3A_318 : memref<1x256x128xf32, #tpu.memory_space<vmem>> -> memref<256x128xf32, #tpu.memory_space<vmem>>
          tpu.vector_store_idx %scatter3A_319[%add3A_218, %broadcast_in_dim3A_315], %broadcast_in_dim3A_3 masked %eq3A_210 : memref<256x128xf32, #tpu.memory_space<vmem>>[vector<16xi32>, vector<16xi32>], vector<16xf32>, vector<16xi1>
          %broadcast_in_dim3A_320 = arith.constant 17 : i32
          %broadcast_in_dim3A_321 = vector.broadcast %broadcast_in_dim3A_320 : i32 to vector<16xi32>
          %scatter3A_322 = arith.constant 0 : i32
          %scatter3A_323 = arith.constant 0 : i32
          %scatter3A_324 = tpu.memref_slice %arg6[%select_n3A_126, %scatter3A_322, %scatter3A_323] : memref<3x256x128xf32, #tpu.memory_space<vmem>> -> memref<1x256x128xf32, #tpu.memory_space<vmem>>
          %scatter3A_325 = tpu.memref_squeeze %scatter3A_324 : memref<1x256x128xf32, #tpu.memory_space<vmem>> -> memref<256x128xf32, #tpu.memory_space<vmem>>
          tpu.vector_store_idx %scatter3A_325[%add3A_218, %broadcast_in_dim3A_321], %broadcast_in_dim3A_3 masked %eq3A_210 : memref<256x128xf32, #tpu.memory_space<vmem>>[vector<16xi32>, vector<16xi32>], vector<16xf32>, vector<16xi1>
          %broadcast_in_dim3A_326 = arith.constant 18 : i32
          %broadcast_in_dim3A_327 = vector.broadcast %broadcast_in_dim3A_326 : i32 to vector<16xi32>
          %scatter3A_328 = arith.constant 0 : i32
          %scatter3A_329 = arith.constant 0 : i32
          %scatter3A_330 = tpu.memref_slice %arg6[%select_n3A_126, %scatter3A_328, %scatter3A_329] : memref<3x256x128xf32, #tpu.memory_space<vmem>> -> memref<1x256x128xf32, #tpu.memory_space<vmem>>
          %scatter3A_331 = tpu.memref_squeeze %scatter3A_330 : memref<1x256x128xf32, #tpu.memory_space<vmem>> -> memref<256x128xf32, #tpu.memory_space<vmem>>
          tpu.vector_store_idx %scatter3A_331[%add3A_218, %broadcast_in_dim3A_327], %broadcast_in_dim3A_3 masked %eq3A_210 : memref<256x128xf32, #tpu.memory_space<vmem>>[vector<16xi32>, vector<16xi32>], vector<16xf32>, vector<16xi1>
          %broadcast_in_dim3A_332 = arith.constant 19 : i32
          %broadcast_in_dim3A_333 = vector.broadcast %broadcast_in_dim3A_332 : i32 to vector<16xi32>
          %scatter3A_334 = arith.constant 0 : i32
          %scatter3A_335 = arith.constant 0 : i32
          %scatter3A_336 = tpu.memref_slice %arg6[%select_n3A_126, %scatter3A_334, %scatter3A_335] : memref<3x256x128xf32, #tpu.memory_space<vmem>> -> memref<1x256x128xf32, #tpu.memory_space<vmem>>
          %scatter3A_337 = tpu.memref_squeeze %scatter3A_336 : memref<1x256x128xf32, #tpu.memory_space<vmem>> -> memref<256x128xf32, #tpu.memory_space<vmem>>
          tpu.vector_store_idx %scatter3A_337[%add3A_218, %broadcast_in_dim3A_333], %broadcast_in_dim3A_3 masked %eq3A_210 : memref<256x128xf32, #tpu.memory_space<vmem>>[vector<16xi32>, vector<16xi32>], vector<16xf32>, vector<16xi1>
          %broadcast_in_dim3A_338 = arith.constant 20 : i32
          %broadcast_in_dim3A_339 = vector.broadcast %broadcast_in_dim3A_338 : i32 to vector<16xi32>
          %scatter3A_340 = arith.constant 0 : i32
          %scatter3A_341 = arith.constant 0 : i32
          %scatter3A_342 = tpu.memref_slice %arg6[%select_n3A_126, %scatter3A_340, %scatter3A_341] : memref<3x256x128xf32, #tpu.memory_space<vmem>> -> memref<1x256x128xf32, #tpu.memory_space<vmem>>
          %scatter3A_343 = tpu.memref_squeeze %scatter3A_342 : memref<1x256x128xf32, #tpu.memory_space<vmem>> -> memref<256x128xf32, #tpu.memory_space<vmem>>
          tpu.vector_store_idx %scatter3A_343[%add3A_218, %broadcast_in_dim3A_339], %broadcast_in_dim3A_3 masked %eq3A_210 : memref<256x128xf32, #tpu.memory_space<vmem>>[vector<16xi32>, vector<16xi32>], vector<16xf32>, vector<16xi1>
          %broadcast_in_dim3A_344 = arith.constant 21 : i32
          %broadcast_in_dim3A_345 = vector.broadcast %broadcast_in_dim3A_344 : i32 to vector<16xi32>
          %scatter3A_346 = arith.constant 0 : i32
          %scatter3A_347 = arith.constant 0 : i32
          %scatter3A_348 = tpu.memref_slice %arg6[%select_n3A_126, %scatter3A_346, %scatter3A_347] : memref<3x256x128xf32, #tpu.memory_space<vmem>> -> memref<1x256x128xf32, #tpu.memory_space<vmem>>
          %scatter3A_349 = tpu.memref_squeeze %scatter3A_348 : memref<1x256x128xf32, #tpu.memory_space<vmem>> -> memref<256x128xf32, #tpu.memory_space<vmem>>
          tpu.vector_store_idx %scatter3A_349[%add3A_218, %broadcast_in_dim3A_345], %broadcast_in_dim3A_3 masked %eq3A_210 : memref<256x128xf32, #tpu.memory_space<vmem>>[vector<16xi32>, vector<16xi32>], vector<16xf32>, vector<16xi1>
          %broadcast_in_dim3A_350 = arith.constant 22 : i32
          %broadcast_in_dim3A_351 = vector.broadcast %broadcast_in_dim3A_350 : i32 to vector<16xi32>
          %scatter3A_352 = arith.constant 0 : i32
          %scatter3A_353 = arith.constant 0 : i32
          %scatter3A_354 = tpu.memref_slice %arg6[%select_n3A_126, %scatter3A_352, %scatter3A_353] : memref<3x256x128xf32, #tpu.memory_space<vmem>> -> memref<1x256x128xf32, #tpu.memory_space<vmem>>
          %scatter3A_355 = tpu.memref_squeeze %scatter3A_354 : memref<1x256x128xf32, #tpu.memory_space<vmem>> -> memref<256x128xf32, #tpu.memory_space<vmem>>
          tpu.vector_store_idx %scatter3A_355[%add3A_218, %broadcast_in_dim3A_351], %broadcast_in_dim3A_3 masked %eq3A_210 : memref<256x128xf32, #tpu.memory_space<vmem>>[vector<16xi32>, vector<16xi32>], vector<16xf32>, vector<16xi1>
          %broadcast_in_dim3A_356 = arith.constant 23 : i32
          %broadcast_in_dim3A_357 = vector.broadcast %broadcast_in_dim3A_356 : i32 to vector<16xi32>
          %scatter3A_358 = arith.constant 0 : i32
          %scatter3A_359 = arith.constant 0 : i32
          %scatter3A_360 = tpu.memref_slice %arg6[%select_n3A_126, %scatter3A_358, %scatter3A_359] : memref<3x256x128xf32, #tpu.memory_space<vmem>> -> memref<1x256x128xf32, #tpu.memory_space<vmem>>
          %scatter3A_361 = tpu.memref_squeeze %scatter3A_360 : memref<1x256x128xf32, #tpu.memory_space<vmem>> -> memref<256x128xf32, #tpu.memory_space<vmem>>
          tpu.vector_store_idx %scatter3A_361[%add3A_218, %broadcast_in_dim3A_357], %broadcast_in_dim3A_3 masked %eq3A_210 : memref<256x128xf32, #tpu.memory_space<vmem>>[vector<16xi32>, vector<16xi32>], vector<16xf32>, vector<16xi1>
          %broadcast_in_dim3A_362 = arith.constant 24 : i32
          %broadcast_in_dim3A_363 = vector.broadcast %broadcast_in_dim3A_362 : i32 to vector<16xi32>
          %scatter3A_364 = arith.constant 0 : i32
          %scatter3A_365 = arith.constant 0 : i32
          %scatter3A_366 = tpu.memref_slice %arg6[%select_n3A_126, %scatter3A_364, %scatter3A_365] : memref<3x256x128xf32, #tpu.memory_space<vmem>> -> memref<1x256x128xf32, #tpu.memory_space<vmem>>
          %scatter3A_367 = tpu.memref_squeeze %scatter3A_366 : memref<1x256x128xf32, #tpu.memory_space<vmem>> -> memref<256x128xf32, #tpu.memory_space<vmem>>
          tpu.vector_store_idx %scatter3A_367[%add3A_218, %broadcast_in_dim3A_363], %broadcast_in_dim3A_3 masked %eq3A_210 : memref<256x128xf32, #tpu.memory_space<vmem>>[vector<16xi32>, vector<16xi32>], vector<16xf32>, vector<16xi1>
          %broadcast_in_dim3A_368 = arith.constant 25 : i32
          %broadcast_in_dim3A_369 = vector.broadcast %broadcast_in_dim3A_368 : i32 to vector<16xi32>
          %scatter3A_370 = arith.constant 0 : i32
          %scatter3A_371 = arith.constant 0 : i32
          %scatter3A_372 = tpu.memref_slice %arg6[%select_n3A_126, %scatter3A_370, %scatter3A_371] : memref<3x256x128xf32, #tpu.memory_space<vmem>> -> memref<1x256x128xf32, #tpu.memory_space<vmem>>
          %scatter3A_373 = tpu.memref_squeeze %scatter3A_372 : memref<1x256x128xf32, #tpu.memory_space<vmem>> -> memref<256x128xf32, #tpu.memory_space<vmem>>
          tpu.vector_store_idx %scatter3A_373[%add3A_218, %broadcast_in_dim3A_369], %broadcast_in_dim3A_3 masked %eq3A_210 : memref<256x128xf32, #tpu.memory_space<vmem>>[vector<16xi32>, vector<16xi32>], vector<16xf32>, vector<16xi1>
          %broadcast_in_dim3A_374 = arith.constant 26 : i32
          %broadcast_in_dim3A_375 = vector.broadcast %broadcast_in_dim3A_374 : i32 to vector<16xi32>
          %scatter3A_376 = arith.constant 0 : i32
          %scatter3A_377 = arith.constant 0 : i32
          %scatter3A_378 = tpu.memref_slice %arg6[%select_n3A_126, %scatter3A_376, %scatter3A_377] : memref<3x256x128xf32, #tpu.memory_space<vmem>> -> memref<1x256x128xf32, #tpu.memory_space<vmem>>
          %scatter3A_379 = tpu.memref_squeeze %scatter3A_378 : memref<1x256x128xf32, #tpu.memory_space<vmem>> -> memref<256x128xf32, #tpu.memory_space<vmem>>
          tpu.vector_store_idx %scatter3A_379[%add3A_218, %broadcast_in_dim3A_375], %broadcast_in_dim3A_3 masked %eq3A_210 : memref<256x128xf32, #tpu.memory_space<vmem>>[vector<16xi32>, vector<16xi32>], vector<16xf32>, vector<16xi1>
          %broadcast_in_dim3A_380 = arith.constant 27 : i32
          %broadcast_in_dim3A_381 = vector.broadcast %broadcast_in_dim3A_380 : i32 to vector<16xi32>
          %scatter3A_382 = arith.constant 0 : i32
          %scatter3A_383 = arith.constant 0 : i32
          %scatter3A_384 = tpu.memref_slice %arg6[%select_n3A_126, %scatter3A_382, %scatter3A_383] : memref<3x256x128xf32, #tpu.memory_space<vmem>> -> memref<1x256x128xf32, #tpu.memory_space<vmem>>
          %scatter3A_385 = tpu.memref_squeeze %scatter3A_384 : memref<1x256x128xf32, #tpu.memory_space<vmem>> -> memref<256x128xf32, #tpu.memory_space<vmem>>
          tpu.vector_store_idx %scatter3A_385[%add3A_218, %broadcast_in_dim3A_381], %broadcast_in_dim3A_3 masked %eq3A_210 : memref<256x128xf32, #tpu.memory_space<vmem>>[vector<16xi32>, vector<16xi32>], vector<16xf32>, vector<16xi1>
          %broadcast_in_dim3A_386 = arith.constant 28 : i32
          %broadcast_in_dim3A_387 = vector.broadcast %broadcast_in_dim3A_386 : i32 to vector<16xi32>
          %scatter3A_388 = arith.constant 0 : i32
          %scatter3A_389 = arith.constant 0 : i32
          %scatter3A_390 = tpu.memref_slice %arg6[%select_n3A_126, %scatter3A_388, %scatter3A_389] : memref<3x256x128xf32, #tpu.memory_space<vmem>> -> memref<1x256x128xf32, #tpu.memory_space<vmem>>
          %scatter3A_391 = tpu.memref_squeeze %scatter3A_390 : memref<1x256x128xf32, #tpu.memory_space<vmem>> -> memref<256x128xf32, #tpu.memory_space<vmem>>
          tpu.vector_store_idx %scatter3A_391[%add3A_218, %broadcast_in_dim3A_387], %broadcast_in_dim3A_3 masked %eq3A_210 : memref<256x128xf32, #tpu.memory_space<vmem>>[vector<16xi32>, vector<16xi32>], vector<16xf32>, vector<16xi1>
          %broadcast_in_dim3A_392 = arith.constant 29 : i32
          %broadcast_in_dim3A_393 = vector.broadcast %broadcast_in_dim3A_392 : i32 to vector<16xi32>
          %scatter3A_394 = arith.constant 0 : i32
          %scatter3A_395 = arith.constant 0 : i32
          %scatter3A_396 = tpu.memref_slice %arg6[%select_n3A_126, %scatter3A_394, %scatter3A_395] : memref<3x256x128xf32, #tpu.memory_space<vmem>> -> memref<1x256x128xf32, #tpu.memory_space<vmem>>
          %scatter3A_397 = tpu.memref_squeeze %scatter3A_396 : memref<1x256x128xf32, #tpu.memory_space<vmem>> -> memref<256x128xf32, #tpu.memory_space<vmem>>
          tpu.vector_store_idx %scatter3A_397[%add3A_218, %broadcast_in_dim3A_393], %broadcast_in_dim3A_3 masked %eq3A_210 : memref<256x128xf32, #tpu.memory_space<vmem>>[vector<16xi32>, vector<16xi32>], vector<16xf32>, vector<16xi1>
          %broadcast_in_dim3A_398 = arith.constant 30 : i32
          %broadcast_in_dim3A_399 = vector.broadcast %broadcast_in_dim3A_398 : i32 to vector<16xi32>
          %scatter3A_400 = arith.constant 0 : i32
          %scatter3A_401 = arith.constant 0 : i32
          %scatter3A_402 = tpu.memref_slice %arg6[%select_n3A_126, %scatter3A_400, %scatter3A_401] : memref<3x256x128xf32, #tpu.memory_space<vmem>> -> memref<1x256x128xf32, #tpu.memory_space<vmem>>
          %scatter3A_403 = tpu.memref_squeeze %scatter3A_402 : memref<1x256x128xf32, #tpu.memory_space<vmem>> -> memref<256x128xf32, #tpu.memory_space<vmem>>
          tpu.vector_store_idx %scatter3A_403[%add3A_218, %broadcast_in_dim3A_399], %broadcast_in_dim3A_3 masked %eq3A_210 : memref<256x128xf32, #tpu.memory_space<vmem>>[vector<16xi32>, vector<16xi32>], vector<16xf32>, vector<16xi1>
          %broadcast_in_dim3A_404 = arith.constant 31 : i32
          %broadcast_in_dim3A_405 = vector.broadcast %broadcast_in_dim3A_404 : i32 to vector<16xi32>
          %scatter3A_406 = arith.constant 0 : i32
          %scatter3A_407 = arith.constant 0 : i32
          %scatter3A_408 = tpu.memref_slice %arg6[%select_n3A_126, %scatter3A_406, %scatter3A_407] : memref<3x256x128xf32, #tpu.memory_space<vmem>> -> memref<1x256x128xf32, #tpu.memory_space<vmem>>
          %scatter3A_409 = tpu.memref_squeeze %scatter3A_408 : memref<1x256x128xf32, #tpu.memory_space<vmem>> -> memref<256x128xf32, #tpu.memory_space<vmem>>
          tpu.vector_store_idx %scatter3A_409[%add3A_218, %broadcast_in_dim3A_405], %broadcast_in_dim3A_3 masked %eq3A_210 : memref<256x128xf32, #tpu.memory_space<vmem>>[vector<16xi32>, vector<16xi32>], vector<16xf32>, vector<16xi1>
          %broadcast_in_dim3A_410 = arith.constant 32 : i32
          %broadcast_in_dim3A_411 = vector.broadcast %broadcast_in_dim3A_410 : i32 to vector<16xi32>
          %scatter3A_412 = arith.constant 0 : i32
          %scatter3A_413 = arith.constant 0 : i32
          %scatter3A_414 = tpu.memref_slice %arg6[%select_n3A_126, %scatter3A_412, %scatter3A_413] : memref<3x256x128xf32, #tpu.memory_space<vmem>> -> memref<1x256x128xf32, #tpu.memory_space<vmem>>
          %scatter3A_415 = tpu.memref_squeeze %scatter3A_414 : memref<1x256x128xf32, #tpu.memory_space<vmem>> -> memref<256x128xf32, #tpu.memory_space<vmem>>
          tpu.vector_store_idx %scatter3A_415[%add3A_218, %broadcast_in_dim3A_411], %broadcast_in_dim3A_3 masked %eq3A_210 : memref<256x128xf32, #tpu.memory_space<vmem>>[vector<16xi32>, vector<16xi32>], vector<16xf32>, vector<16xi1>
          %broadcast_in_dim3A_416 = arith.constant 33 : i32
          %broadcast_in_dim3A_417 = vector.broadcast %broadcast_in_dim3A_416 : i32 to vector<16xi32>
          %scatter3A_418 = arith.constant 0 : i32
          %scatter3A_419 = arith.constant 0 : i32
          %scatter3A_420 = tpu.memref_slice %arg6[%select_n3A_126, %scatter3A_418, %scatter3A_419] : memref<3x256x128xf32, #tpu.memory_space<vmem>> -> memref<1x256x128xf32, #tpu.memory_space<vmem>>
          %scatter3A_421 = tpu.memref_squeeze %scatter3A_420 : memref<1x256x128xf32, #tpu.memory_space<vmem>> -> memref<256x128xf32, #tpu.memory_space<vmem>>
          tpu.vector_store_idx %scatter3A_421[%add3A_218, %broadcast_in_dim3A_417], %broadcast_in_dim3A_3 masked %eq3A_210 : memref<256x128xf32, #tpu.memory_space<vmem>>[vector<16xi32>, vector<16xi32>], vector<16xf32>, vector<16xi1>
          %broadcast_in_dim3A_422 = arith.constant 34 : i32
          %broadcast_in_dim3A_423 = vector.broadcast %broadcast_in_dim3A_422 : i32 to vector<16xi32>
          %scatter3A_424 = arith.constant 0 : i32
          %scatter3A_425 = arith.constant 0 : i32
          %scatter3A_426 = tpu.memref_slice %arg6[%select_n3A_126, %scatter3A_424, %scatter3A_425] : memref<3x256x128xf32, #tpu.memory_space<vmem>> -> memref<1x256x128xf32, #tpu.memory_space<vmem>>
          %scatter3A_427 = tpu.memref_squeeze %scatter3A_426 : memref<1x256x128xf32, #tpu.memory_space<vmem>> -> memref<256x128xf32, #tpu.memory_space<vmem>>
          tpu.vector_store_idx %scatter3A_427[%add3A_218, %broadcast_in_dim3A_423], %broadcast_in_dim3A_3 masked %eq3A_210 : memref<256x128xf32, #tpu.memory_space<vmem>>[vector<16xi32>, vector<16xi32>], vector<16xf32>, vector<16xi1>
          %broadcast_in_dim3A_428 = arith.constant 35 : i32
          %broadcast_in_dim3A_429 = vector.broadcast %broadcast_in_dim3A_428 : i32 to vector<16xi32>
          %scatter3A_430 = arith.constant 0 : i32
          %scatter3A_431 = arith.constant 0 : i32
          %scatter3A_432 = tpu.memref_slice %arg6[%select_n3A_126, %scatter3A_430, %scatter3A_431] : memref<3x256x128xf32, #tpu.memory_space<vmem>> -> memref<1x256x128xf32, #tpu.memory_space<vmem>>
          %scatter3A_433 = tpu.memref_squeeze %scatter3A_432 : memref<1x256x128xf32, #tpu.memory_space<vmem>> -> memref<256x128xf32, #tpu.memory_space<vmem>>
          tpu.vector_store_idx %scatter3A_433[%add3A_218, %broadcast_in_dim3A_429], %broadcast_in_dim3A_3 masked %eq3A_210 : memref<256x128xf32, #tpu.memory_space<vmem>>[vector<16xi32>, vector<16xi32>], vector<16xf32>, vector<16xi1>
          %broadcast_in_dim3A_434 = arith.constant 36 : i32
          %broadcast_in_dim3A_435 = vector.broadcast %broadcast_in_dim3A_434 : i32 to vector<16xi32>
          %scatter3A_436 = arith.constant 0 : i32
          %scatter3A_437 = arith.constant 0 : i32
          %scatter3A_438 = tpu.memref_slice %arg6[%select_n3A_126, %scatter3A_436, %scatter3A_437] : memref<3x256x128xf32, #tpu.memory_space<vmem>> -> memref<1x256x128xf32, #tpu.memory_space<vmem>>
          %scatter3A_439 = tpu.memref_squeeze %scatter3A_438 : memref<1x256x128xf32, #tpu.memory_space<vmem>> -> memref<256x128xf32, #tpu.memory_space<vmem>>
          tpu.vector_store_idx %scatter3A_439[%add3A_218, %broadcast_in_dim3A_435], %broadcast_in_dim3A_3 masked %eq3A_210 : memref<256x128xf32, #tpu.memory_space<vmem>>[vector<16xi32>, vector<16xi32>], vector<16xf32>, vector<16xi1>
          %broadcast_in_dim3A_440 = arith.constant 37 : i32
          %broadcast_in_dim3A_441 = vector.broadcast %broadcast_in_dim3A_440 : i32 to vector<16xi32>
          %scatter3A_442 = arith.constant 0 : i32
          %scatter3A_443 = arith.constant 0 : i32
          %scatter3A_444 = tpu.memref_slice %arg6[%select_n3A_126, %scatter3A_442, %scatter3A_443] : memref<3x256x128xf32, #tpu.memory_space<vmem>> -> memref<1x256x128xf32, #tpu.memory_space<vmem>>
          %scatter3A_445 = tpu.memref_squeeze %scatter3A_444 : memref<1x256x128xf32, #tpu.memory_space<vmem>> -> memref<256x128xf32, #tpu.memory_space<vmem>>
          tpu.vector_store_idx %scatter3A_445[%add3A_218, %broadcast_in_dim3A_441], %broadcast_in_dim3A_3 masked %eq3A_210 : memref<256x128xf32, #tpu.memory_space<vmem>>[vector<16xi32>, vector<16xi32>], vector<16xf32>, vector<16xi1>
          %broadcast_in_dim3A_446 = arith.constant 38 : i32
          %broadcast_in_dim3A_447 = vector.broadcast %broadcast_in_dim3A_446 : i32 to vector<16xi32>
          %scatter3A_448 = arith.constant 0 : i32
          %scatter3A_449 = arith.constant 0 : i32
          %scatter3A_450 = tpu.memref_slice %arg6[%select_n3A_126, %scatter3A_448, %scatter3A_449] : memref<3x256x128xf32, #tpu.memory_space<vmem>> -> memref<1x256x128xf32, #tpu.memory_space<vmem>>
          %scatter3A_451 = tpu.memref_squeeze %scatter3A_450 : memref<1x256x128xf32, #tpu.memory_space<vmem>> -> memref<256x128xf32, #tpu.memory_space<vmem>>
          tpu.vector_store_idx %scatter3A_451[%add3A_218, %broadcast_in_dim3A_447], %broadcast_in_dim3A_3 masked %eq3A_210 : memref<256x128xf32, #tpu.memory_space<vmem>>[vector<16xi32>, vector<16xi32>], vector<16xf32>, vector<16xi1>
          %broadcast_in_dim3A_452 = arith.constant 39 : i32
          %broadcast_in_dim3A_453 = vector.broadcast %broadcast_in_dim3A_452 : i32 to vector<16xi32>
          %scatter3A_454 = arith.constant 0 : i32
          %scatter3A_455 = arith.constant 0 : i32
          %scatter3A_456 = tpu.memref_slice %arg6[%select_n3A_126, %scatter3A_454, %scatter3A_455] : memref<3x256x128xf32, #tpu.memory_space<vmem>> -> memref<1x256x128xf32, #tpu.memory_space<vmem>>
          %scatter3A_457 = tpu.memref_squeeze %scatter3A_456 : memref<1x256x128xf32, #tpu.memory_space<vmem>> -> memref<256x128xf32, #tpu.memory_space<vmem>>
          tpu.vector_store_idx %scatter3A_457[%add3A_218, %broadcast_in_dim3A_453], %broadcast_in_dim3A_3 masked %eq3A_210 : memref<256x128xf32, #tpu.memory_space<vmem>>[vector<16xi32>, vector<16xi32>], vector<16xf32>, vector<16xi1>
          %broadcast_in_dim3A_458 = arith.constant 40 : i32
          %broadcast_in_dim3A_459 = vector.broadcast %broadcast_in_dim3A_458 : i32 to vector<16xi32>
          %scatter3A_460 = arith.constant 0 : i32
          %scatter3A_461 = arith.constant 0 : i32
          %scatter3A_462 = tpu.memref_slice %arg6[%select_n3A_126, %scatter3A_460, %scatter3A_461] : memref<3x256x128xf32, #tpu.memory_space<vmem>> -> memref<1x256x128xf32, #tpu.memory_space<vmem>>
          %scatter3A_463 = tpu.memref_squeeze %scatter3A_462 : memref<1x256x128xf32, #tpu.memory_space<vmem>> -> memref<256x128xf32, #tpu.memory_space<vmem>>
          tpu.vector_store_idx %scatter3A_463[%add3A_218, %broadcast_in_dim3A_459], %broadcast_in_dim3A_3 masked %eq3A_210 : memref<256x128xf32, #tpu.memory_space<vmem>>[vector<16xi32>, vector<16xi32>], vector<16xf32>, vector<16xi1>
          %broadcast_in_dim3A_464 = arith.constant 41 : i32
          %broadcast_in_dim3A_465 = vector.broadcast %broadcast_in_dim3A_464 : i32 to vector<16xi32>
          %scatter3A_466 = arith.constant 0 : i32
          %scatter3A_467 = arith.constant 0 : i32
          %scatter3A_468 = tpu.memref_slice %arg6[%select_n3A_126, %scatter3A_466, %scatter3A_467] : memref<3x256x128xf32, #tpu.memory_space<vmem>> -> memref<1x256x128xf32, #tpu.memory_space<vmem>>
          %scatter3A_469 = tpu.memref_squeeze %scatter3A_468 : memref<1x256x128xf32, #tpu.memory_space<vmem>> -> memref<256x128xf32, #tpu.memory_space<vmem>>
          tpu.vector_store_idx %scatter3A_469[%add3A_218, %broadcast_in_dim3A_465], %broadcast_in_dim3A_3 masked %eq3A_210 : memref<256x128xf32, #tpu.memory_space<vmem>>[vector<16xi32>, vector<16xi32>], vector<16xf32>, vector<16xi1>
          %broadcast_in_dim3A_470 = arith.constant 42 : i32
          %broadcast_in_dim3A_471 = vector.broadcast %broadcast_in_dim3A_470 : i32 to vector<16xi32>
          %scatter3A_472 = arith.constant 0 : i32
          %scatter3A_473 = arith.constant 0 : i32
          %scatter3A_474 = tpu.memref_slice %arg6[%select_n3A_126, %scatter3A_472, %scatter3A_473] : memref<3x256x128xf32, #tpu.memory_space<vmem>> -> memref<1x256x128xf32, #tpu.memory_space<vmem>>
          %scatter3A_475 = tpu.memref_squeeze %scatter3A_474 : memref<1x256x128xf32, #tpu.memory_space<vmem>> -> memref<256x128xf32, #tpu.memory_space<vmem>>
          tpu.vector_store_idx %scatter3A_475[%add3A_218, %broadcast_in_dim3A_471], %broadcast_in_dim3A_3 masked %eq3A_210 : memref<256x128xf32, #tpu.memory_space<vmem>>[vector<16xi32>, vector<16xi32>], vector<16xf32>, vector<16xi1>
          %broadcast_in_dim3A_476 = arith.constant 43 : i32
          %broadcast_in_dim3A_477 = vector.broadcast %broadcast_in_dim3A_476 : i32 to vector<16xi32>
          %scatter3A_478 = arith.constant 0 : i32
          %scatter3A_479 = arith.constant 0 : i32
          %scatter3A_480 = tpu.memref_slice %arg6[%select_n3A_126, %scatter3A_478, %scatter3A_479] : memref<3x256x128xf32, #tpu.memory_space<vmem>> -> memref<1x256x128xf32, #tpu.memory_space<vmem>>
          %scatter3A_481 = tpu.memref_squeeze %scatter3A_480 : memref<1x256x128xf32, #tpu.memory_space<vmem>> -> memref<256x128xf32, #tpu.memory_space<vmem>>
          tpu.vector_store_idx %scatter3A_481[%add3A_218, %broadcast_in_dim3A_477], %broadcast_in_dim3A_3 masked %eq3A_210 : memref<256x128xf32, #tpu.memory_space<vmem>>[vector<16xi32>, vector<16xi32>], vector<16xf32>, vector<16xi1>
          %broadcast_in_dim3A_482 = arith.constant 44 : i32
          %broadcast_in_dim3A_483 = vector.broadcast %broadcast_in_dim3A_482 : i32 to vector<16xi32>
          %scatter3A_484 = arith.constant 0 : i32
          %scatter3A_485 = arith.constant 0 : i32
          %scatter3A_486 = tpu.memref_slice %arg6[%select_n3A_126, %scatter3A_484, %scatter3A_485] : memref<3x256x128xf32, #tpu.memory_space<vmem>> -> memref<1x256x128xf32, #tpu.memory_space<vmem>>
          %scatter3A_487 = tpu.memref_squeeze %scatter3A_486 : memref<1x256x128xf32, #tpu.memory_space<vmem>> -> memref<256x128xf32, #tpu.memory_space<vmem>>
          tpu.vector_store_idx %scatter3A_487[%add3A_218, %broadcast_in_dim3A_483], %broadcast_in_dim3A_3 masked %eq3A_210 : memref<256x128xf32, #tpu.memory_space<vmem>>[vector<16xi32>, vector<16xi32>], vector<16xf32>, vector<16xi1>
          %broadcast_in_dim3A_488 = arith.constant 45 : i32
          %broadcast_in_dim3A_489 = vector.broadcast %broadcast_in_dim3A_488 : i32 to vector<16xi32>
          %scatter3A_490 = arith.constant 0 : i32
          %scatter3A_491 = arith.constant 0 : i32
          %scatter3A_492 = tpu.memref_slice %arg6[%select_n3A_126, %scatter3A_490, %scatter3A_491] : memref<3x256x128xf32, #tpu.memory_space<vmem>> -> memref<1x256x128xf32, #tpu.memory_space<vmem>>
          %scatter3A_493 = tpu.memref_squeeze %scatter3A_492 : memref<1x256x128xf32, #tpu.memory_space<vmem>> -> memref<256x128xf32, #tpu.memory_space<vmem>>
          tpu.vector_store_idx %scatter3A_493[%add3A_218, %broadcast_in_dim3A_489], %broadcast_in_dim3A_3 masked %eq3A_210 : memref<256x128xf32, #tpu.memory_space<vmem>>[vector<16xi32>, vector<16xi32>], vector<16xf32>, vector<16xi1>
          %broadcast_in_dim3A_494 = arith.constant 46 : i32
          %broadcast_in_dim3A_495 = vector.broadcast %broadcast_in_dim3A_494 : i32 to vector<16xi32>
          %scatter3A_496 = arith.constant 0 : i32
          %scatter3A_497 = arith.constant 0 : i32
          %scatter3A_498 = tpu.memref_slice %arg6[%select_n3A_126, %scatter3A_496, %scatter3A_497] : memref<3x256x128xf32, #tpu.memory_space<vmem>> -> memref<1x256x128xf32, #tpu.memory_space<vmem>>
          %scatter3A_499 = tpu.memref_squeeze %scatter3A_498 : memref<1x256x128xf32, #tpu.memory_space<vmem>> -> memref<256x128xf32, #tpu.memory_space<vmem>>
          tpu.vector_store_idx %scatter3A_499[%add3A_218, %broadcast_in_dim3A_495], %broadcast_in_dim3A_3 masked %eq3A_210 : memref<256x128xf32, #tpu.memory_space<vmem>>[vector<16xi32>, vector<16xi32>], vector<16xf32>, vector<16xi1>
          %broadcast_in_dim3A_500 = arith.constant 47 : i32
          %broadcast_in_dim3A_501 = vector.broadcast %broadcast_in_dim3A_500 : i32 to vector<16xi32>
          %scatter3A_502 = arith.constant 0 : i32
          %scatter3A_503 = arith.constant 0 : i32
          %scatter3A_504 = tpu.memref_slice %arg6[%select_n3A_126, %scatter3A_502, %scatter3A_503] : memref<3x256x128xf32, #tpu.memory_space<vmem>> -> memref<1x256x128xf32, #tpu.memory_space<vmem>>
          %scatter3A_505 = tpu.memref_squeeze %scatter3A_504 : memref<1x256x128xf32, #tpu.memory_space<vmem>> -> memref<256x128xf32, #tpu.memory_space<vmem>>
          tpu.vector_store_idx %scatter3A_505[%add3A_218, %broadcast_in_dim3A_501], %broadcast_in_dim3A_3 masked %eq3A_210 : memref<256x128xf32, #tpu.memory_space<vmem>>[vector<16xi32>, vector<16xi32>], vector<16xf32>, vector<16xi1>
          %broadcast_in_dim3A_506 = arith.constant 48 : i32
          %broadcast_in_dim3A_507 = vector.broadcast %broadcast_in_dim3A_506 : i32 to vector<16xi32>
          %scatter3A_508 = arith.constant 0 : i32
          %scatter3A_509 = arith.constant 0 : i32
          %scatter3A_510 = tpu.memref_slice %arg6[%select_n3A_126, %scatter3A_508, %scatter3A_509] : memref<3x256x128xf32, #tpu.memory_space<vmem>> -> memref<1x256x128xf32, #tpu.memory_space<vmem>>
          %scatter3A_511 = tpu.memref_squeeze %scatter3A_510 : memref<1x256x128xf32, #tpu.memory_space<vmem>> -> memref<256x128xf32, #tpu.memory_space<vmem>>
          tpu.vector_store_idx %scatter3A_511[%add3A_218, %broadcast_in_dim3A_507], %broadcast_in_dim3A_3 masked %eq3A_210 : memref<256x128xf32, #tpu.memory_space<vmem>>[vector<16xi32>, vector<16xi32>], vector<16xf32>, vector<16xi1>
          %broadcast_in_dim3A_512 = arith.constant 49 : i32
          %broadcast_in_dim3A_513 = vector.broadcast %broadcast_in_dim3A_512 : i32 to vector<16xi32>
          %scatter3A_514 = arith.constant 0 : i32
          %scatter3A_515 = arith.constant 0 : i32
          %scatter3A_516 = tpu.memref_slice %arg6[%select_n3A_126, %scatter3A_514, %scatter3A_515] : memref<3x256x128xf32, #tpu.memory_space<vmem>> -> memref<1x256x128xf32, #tpu.memory_space<vmem>>
          %scatter3A_517 = tpu.memref_squeeze %scatter3A_516 : memref<1x256x128xf32, #tpu.memory_space<vmem>> -> memref<256x128xf32, #tpu.memory_space<vmem>>
          tpu.vector_store_idx %scatter3A_517[%add3A_218, %broadcast_in_dim3A_513], %broadcast_in_dim3A_3 masked %eq3A_210 : memref<256x128xf32, #tpu.memory_space<vmem>>[vector<16xi32>, vector<16xi32>], vector<16xf32>, vector<16xi1>
          %broadcast_in_dim3A_518 = arith.constant 50 : i32
          %broadcast_in_dim3A_519 = vector.broadcast %broadcast_in_dim3A_518 : i32 to vector<16xi32>
          %scatter3A_520 = arith.constant 0 : i32
          %scatter3A_521 = arith.constant 0 : i32
          %scatter3A_522 = tpu.memref_slice %arg6[%select_n3A_126, %scatter3A_520, %scatter3A_521] : memref<3x256x128xf32, #tpu.memory_space<vmem>> -> memref<1x256x128xf32, #tpu.memory_space<vmem>>
          %scatter3A_523 = tpu.memref_squeeze %scatter3A_522 : memref<1x256x128xf32, #tpu.memory_space<vmem>> -> memref<256x128xf32, #tpu.memory_space<vmem>>
          tpu.vector_store_idx %scatter3A_523[%add3A_218, %broadcast_in_dim3A_519], %broadcast_in_dim3A_3 masked %eq3A_210 : memref<256x128xf32, #tpu.memory_space<vmem>>[vector<16xi32>, vector<16xi32>], vector<16xf32>, vector<16xi1>
          %broadcast_in_dim3A_524 = arith.constant 51 : i32
          %broadcast_in_dim3A_525 = vector.broadcast %broadcast_in_dim3A_524 : i32 to vector<16xi32>
          %scatter3A_526 = arith.constant 0 : i32
          %scatter3A_527 = arith.constant 0 : i32
          %scatter3A_528 = tpu.memref_slice %arg6[%select_n3A_126, %scatter3A_526, %scatter3A_527] : memref<3x256x128xf32, #tpu.memory_space<vmem>> -> memref<1x256x128xf32, #tpu.memory_space<vmem>>
          %scatter3A_529 = tpu.memref_squeeze %scatter3A_528 : memref<1x256x128xf32, #tpu.memory_space<vmem>> -> memref<256x128xf32, #tpu.memory_space<vmem>>
          tpu.vector_store_idx %scatter3A_529[%add3A_218, %broadcast_in_dim3A_525], %broadcast_in_dim3A_3 masked %eq3A_210 : memref<256x128xf32, #tpu.memory_space<vmem>>[vector<16xi32>, vector<16xi32>], vector<16xf32>, vector<16xi1>
          %broadcast_in_dim3A_530 = arith.constant 52 : i32
          %broadcast_in_dim3A_531 = vector.broadcast %broadcast_in_dim3A_530 : i32 to vector<16xi32>
          %scatter3A_532 = arith.constant 0 : i32
          %scatter3A_533 = arith.constant 0 : i32
          %scatter3A_534 = tpu.memref_slice %arg6[%select_n3A_126, %scatter3A_532, %scatter3A_533] : memref<3x256x128xf32, #tpu.memory_space<vmem>> -> memref<1x256x128xf32, #tpu.memory_space<vmem>>
          %scatter3A_535 = tpu.memref_squeeze %scatter3A_534 : memref<1x256x128xf32, #tpu.memory_space<vmem>> -> memref<256x128xf32, #tpu.memory_space<vmem>>
          tpu.vector_store_idx %scatter3A_535[%add3A_218, %broadcast_in_dim3A_531], %broadcast_in_dim3A_3 masked %eq3A_210 : memref<256x128xf32, #tpu.memory_space<vmem>>[vector<16xi32>, vector<16xi32>], vector<16xf32>, vector<16xi1>
          %broadcast_in_dim3A_536 = arith.constant 53 : i32
          %broadcast_in_dim3A_537 = vector.broadcast %broadcast_in_dim3A_536 : i32 to vector<16xi32>
          %scatter3A_538 = arith.constant 0 : i32
          %scatter3A_539 = arith.constant 0 : i32
          %scatter3A_540 = tpu.memref_slice %arg6[%select_n3A_126, %scatter3A_538, %scatter3A_539] : memref<3x256x128xf32, #tpu.memory_space<vmem>> -> memref<1x256x128xf32, #tpu.memory_space<vmem>>
          %scatter3A_541 = tpu.memref_squeeze %scatter3A_540 : memref<1x256x128xf32, #tpu.memory_space<vmem>> -> memref<256x128xf32, #tpu.memory_space<vmem>>
          tpu.vector_store_idx %scatter3A_541[%add3A_218, %broadcast_in_dim3A_537], %broadcast_in_dim3A_3 masked %eq3A_210 : memref<256x128xf32, #tpu.memory_space<vmem>>[vector<16xi32>, vector<16xi32>], vector<16xf32>, vector<16xi1>
          %broadcast_in_dim3A_542 = arith.constant 54 : i32
          %broadcast_in_dim3A_543 = vector.broadcast %broadcast_in_dim3A_542 : i32 to vector<16xi32>
          %scatter3A_544 = arith.constant 0 : i32
          %scatter3A_545 = arith.constant 0 : i32
          %scatter3A_546 = tpu.memref_slice %arg6[%select_n3A_126, %scatter3A_544, %scatter3A_545] : memref<3x256x128xf32, #tpu.memory_space<vmem>> -> memref<1x256x128xf32, #tpu.memory_space<vmem>>
          %scatter3A_547 = tpu.memref_squeeze %scatter3A_546 : memref<1x256x128xf32, #tpu.memory_space<vmem>> -> memref<256x128xf32, #tpu.memory_space<vmem>>
          tpu.vector_store_idx %scatter3A_547[%add3A_218, %broadcast_in_dim3A_543], %broadcast_in_dim3A_3 masked %eq3A_210 : memref<256x128xf32, #tpu.memory_space<vmem>>[vector<16xi32>, vector<16xi32>], vector<16xf32>, vector<16xi1>
          %broadcast_in_dim3A_548 = arith.constant 55 : i32
          %broadcast_in_dim3A_549 = vector.broadcast %broadcast_in_dim3A_548 : i32 to vector<16xi32>
          %scatter3A_550 = arith.constant 0 : i32
          %scatter3A_551 = arith.constant 0 : i32
          %scatter3A_552 = tpu.memref_slice %arg6[%select_n3A_126, %scatter3A_550, %scatter3A_551] : memref<3x256x128xf32, #tpu.memory_space<vmem>> -> memref<1x256x128xf32, #tpu.memory_space<vmem>>
          %scatter3A_553 = tpu.memref_squeeze %scatter3A_552 : memref<1x256x128xf32, #tpu.memory_space<vmem>> -> memref<256x128xf32, #tpu.memory_space<vmem>>
          tpu.vector_store_idx %scatter3A_553[%add3A_218, %broadcast_in_dim3A_549], %broadcast_in_dim3A_3 masked %eq3A_210 : memref<256x128xf32, #tpu.memory_space<vmem>>[vector<16xi32>, vector<16xi32>], vector<16xf32>, vector<16xi1>
          %broadcast_in_dim3A_554 = arith.constant 56 : i32
          %broadcast_in_dim3A_555 = vector.broadcast %broadcast_in_dim3A_554 : i32 to vector<16xi32>
          %scatter3A_556 = arith.constant 0 : i32
          %scatter3A_557 = arith.constant 0 : i32
          %scatter3A_558 = tpu.memref_slice %arg6[%select_n3A_126, %scatter3A_556, %scatter3A_557] : memref<3x256x128xf32, #tpu.memory_space<vmem>> -> memref<1x256x128xf32, #tpu.memory_space<vmem>>
          %scatter3A_559 = tpu.memref_squeeze %scatter3A_558 : memref<1x256x128xf32, #tpu.memory_space<vmem>> -> memref<256x128xf32, #tpu.memory_space<vmem>>
          tpu.vector_store_idx %scatter3A_559[%add3A_218, %broadcast_in_dim3A_555], %broadcast_in_dim3A_3 masked %eq3A_210 : memref<256x128xf32, #tpu.memory_space<vmem>>[vector<16xi32>, vector<16xi32>], vector<16xf32>, vector<16xi1>
          %broadcast_in_dim3A_560 = arith.constant 57 : i32
          %broadcast_in_dim3A_561 = vector.broadcast %broadcast_in_dim3A_560 : i32 to vector<16xi32>
          %scatter3A_562 = arith.constant 0 : i32
          %scatter3A_563 = arith.constant 0 : i32
          %scatter3A_564 = tpu.memref_slice %arg6[%select_n3A_126, %scatter3A_562, %scatter3A_563] : memref<3x256x128xf32, #tpu.memory_space<vmem>> -> memref<1x256x128xf32, #tpu.memory_space<vmem>>
          %scatter3A_565 = tpu.memref_squeeze %scatter3A_564 : memref<1x256x128xf32, #tpu.memory_space<vmem>> -> memref<256x128xf32, #tpu.memory_space<vmem>>
          tpu.vector_store_idx %scatter3A_565[%add3A_218, %broadcast_in_dim3A_561], %broadcast_in_dim3A_3 masked %eq3A_210 : memref<256x128xf32, #tpu.memory_space<vmem>>[vector<16xi32>, vector<16xi32>], vector<16xf32>, vector<16xi1>
          %broadcast_in_dim3A_566 = arith.constant 58 : i32
          %broadcast_in_dim3A_567 = vector.broadcast %broadcast_in_dim3A_566 : i32 to vector<16xi32>
          %scatter3A_568 = arith.constant 0 : i32
          %scatter3A_569 = arith.constant 0 : i32
          %scatter3A_570 = tpu.memref_slice %arg6[%select_n3A_126, %scatter3A_568, %scatter3A_569] : memref<3x256x128xf32, #tpu.memory_space<vmem>> -> memref<1x256x128xf32, #tpu.memory_space<vmem>>
          %scatter3A_571 = tpu.memref_squeeze %scatter3A_570 : memref<1x256x128xf32, #tpu.memory_space<vmem>> -> memref<256x128xf32, #tpu.memory_space<vmem>>
          tpu.vector_store_idx %scatter3A_571[%add3A_218, %broadcast_in_dim3A_567], %broadcast_in_dim3A_3 masked %eq3A_210 : memref<256x128xf32, #tpu.memory_space<vmem>>[vector<16xi32>, vector<16xi32>], vector<16xf32>, vector<16xi1>
          %broadcast_in_dim3A_572 = arith.constant 59 : i32
          %broadcast_in_dim3A_573 = vector.broadcast %broadcast_in_dim3A_572 : i32 to vector<16xi32>
          %scatter3A_574 = arith.constant 0 : i32
          %scatter3A_575 = arith.constant 0 : i32
          %scatter3A_576 = tpu.memref_slice %arg6[%select_n3A_126, %scatter3A_574, %scatter3A_575] : memref<3x256x128xf32, #tpu.memory_space<vmem>> -> memref<1x256x128xf32, #tpu.memory_space<vmem>>
          %scatter3A_577 = tpu.memref_squeeze %scatter3A_576 : memref<1x256x128xf32, #tpu.memory_space<vmem>> -> memref<256x128xf32, #tpu.memory_space<vmem>>
          tpu.vector_store_idx %scatter3A_577[%add3A_218, %broadcast_in_dim3A_573], %broadcast_in_dim3A_3 masked %eq3A_210 : memref<256x128xf32, #tpu.memory_space<vmem>>[vector<16xi32>, vector<16xi32>], vector<16xf32>, vector<16xi1>
          %broadcast_in_dim3A_578 = arith.constant 60 : i32
          %broadcast_in_dim3A_579 = vector.broadcast %broadcast_in_dim3A_578 : i32 to vector<16xi32>
          %scatter3A_580 = arith.constant 0 : i32
          %scatter3A_581 = arith.constant 0 : i32
          %scatter3A_582 = tpu.memref_slice %arg6[%select_n3A_126, %scatter3A_580, %scatter3A_581] : memref<3x256x128xf32, #tpu.memory_space<vmem>> -> memref<1x256x128xf32, #tpu.memory_space<vmem>>
          %scatter3A_583 = tpu.memref_squeeze %scatter3A_582 : memref<1x256x128xf32, #tpu.memory_space<vmem>> -> memref<256x128xf32, #tpu.memory_space<vmem>>
          tpu.vector_store_idx %scatter3A_583[%add3A_218, %broadcast_in_dim3A_579], %broadcast_in_dim3A_3 masked %eq3A_210 : memref<256x128xf32, #tpu.memory_space<vmem>>[vector<16xi32>, vector<16xi32>], vector<16xf32>, vector<16xi1>
          %broadcast_in_dim3A_584 = arith.constant 61 : i32
          %broadcast_in_dim3A_585 = vector.broadcast %broadcast_in_dim3A_584 : i32 to vector<16xi32>
          %scatter3A_586 = arith.constant 0 : i32
          %scatter3A_587 = arith.constant 0 : i32
          %scatter3A_588 = tpu.memref_slice %arg6[%select_n3A_126, %scatter3A_586, %scatter3A_587] : memref<3x256x128xf32, #tpu.memory_space<vmem>> -> memref<1x256x128xf32, #tpu.memory_space<vmem>>
          %scatter3A_589 = tpu.memref_squeeze %scatter3A_588 : memref<1x256x128xf32, #tpu.memory_space<vmem>> -> memref<256x128xf32, #tpu.memory_space<vmem>>
          tpu.vector_store_idx %scatter3A_589[%add3A_218, %broadcast_in_dim3A_585], %broadcast_in_dim3A_3 masked %eq3A_210 : memref<256x128xf32, #tpu.memory_space<vmem>>[vector<16xi32>, vector<16xi32>], vector<16xf32>, vector<16xi1>
          %broadcast_in_dim3A_590 = arith.constant 62 : i32
          %broadcast_in_dim3A_591 = vector.broadcast %broadcast_in_dim3A_590 : i32 to vector<16xi32>
          %scatter3A_592 = arith.constant 0 : i32
          %scatter3A_593 = arith.constant 0 : i32
          %scatter3A_594 = tpu.memref_slice %arg6[%select_n3A_126, %scatter3A_592, %scatter3A_593] : memref<3x256x128xf32, #tpu.memory_space<vmem>> -> memref<1x256x128xf32, #tpu.memory_space<vmem>>
          %scatter3A_595 = tpu.memref_squeeze %scatter3A_594 : memref<1x256x128xf32, #tpu.memory_space<vmem>> -> memref<256x128xf32, #tpu.memory_space<vmem>>
          tpu.vector_store_idx %scatter3A_595[%add3A_218, %broadcast_in_dim3A_591], %broadcast_in_dim3A_3 masked %eq3A_210 : memref<256x128xf32, #tpu.memory_space<vmem>>[vector<16xi32>, vector<16xi32>], vector<16xf32>, vector<16xi1>
          %broadcast_in_dim3A_596 = arith.constant 63 : i32
          %broadcast_in_dim3A_597 = vector.broadcast %broadcast_in_dim3A_596 : i32 to vector<16xi32>
          %scatter3A_598 = arith.constant 0 : i32
          %scatter3A_599 = arith.constant 0 : i32
          %scatter3A_600 = tpu.memref_slice %arg6[%select_n3A_126, %scatter3A_598, %scatter3A_599] : memref<3x256x128xf32, #tpu.memory_space<vmem>> -> memref<1x256x128xf32, #tpu.memory_space<vmem>>
          %scatter3A_601 = tpu.memref_squeeze %scatter3A_600 : memref<1x256x128xf32, #tpu.memory_space<vmem>> -> memref<256x128xf32, #tpu.memory_space<vmem>>
          tpu.vector_store_idx %scatter3A_601[%add3A_218, %broadcast_in_dim3A_597], %broadcast_in_dim3A_3 masked %eq3A_210 : memref<256x128xf32, #tpu.memory_space<vmem>>[vector<16xi32>, vector<16xi32>], vector<16xf32>, vector<16xi1>
        } else {
        }
      }
      %scan3A_183 = arith.constant 16 : i32
      %mul3A_184 = arith.constant 256 : i32
      %mul3A_185 = arith.muli %scan3A_117, %mul3A_184 : i32
      %add3A_186 = arith.addi %mul3A_2, %mul3A_185 : i32
      %dma_start3A_187 = arith.constant 0 : i32
      %dma_start3A_188 = arith.constant 0 : i32
      %dma_start3A_189 = tpu.memref_slice %arg6[%select_n3A_126, %dma_start3A_187, %dma_start3A_188] : memref<3x256x128xf32, #tpu.memory_space<vmem>> -> memref<1x256x128xf32, #tpu.memory_space<vmem>>
      %dma_start3A_190 = tpu.memref_squeeze %dma_start3A_189 : memref<1x256x128xf32, #tpu.memory_space<vmem>> -> memref<256x128xf32, #tpu.memory_space<vmem>>
      %dma_start3A_191 = arith.constant 0 : i32
      %dma_start3A_192 = tpu.memref_slice %arg4[%add3A_186, %dma_start3A_191] : memref<819200x128xf32, #tpu.memory_space<hbm>> -> memref<256x128xf32, #tpu.memory_space<hbm>>
      %dma_start3A_193 = tpu.memref_slice %arg8[%select_n3A_126] : memref<3x!tpu.dma_semaphore, #tpu.memory_space<semaphore_mem>> -> memref<1x!tpu.dma_semaphore, #tpu.memory_space<semaphore_mem>>
      %dma_start3A_194 = tpu.memref_squeeze %dma_start3A_193 : memref<1x!tpu.dma_semaphore, #tpu.memory_space<semaphore_mem>> -> memref<!tpu.dma_semaphore, #tpu.memory_space<semaphore_mem>>
      %dma_start3A_195 = arith.constant 0 : i32
      %dma_start3A_196 = tpu.memref_slice %arg4[%add3A_186, %dma_start3A_195] : memref<819200x128xf32, #tpu.memory_space<hbm>> -> memref<256x128xf32, #tpu.memory_space<hbm>>
      %dma_start3A_197 = arith.constant 0 : i32
      %dma_start3A_198 = arith.constant 0 : i32
      %dma_start3A_199 = tpu.memref_slice %arg6[%select_n3A_126, %dma_start3A_197, %dma_start3A_198] : memref<3x256x128xf32, #tpu.memory_space<vmem>> -> memref<1x256x128xf32, #tpu.memory_space<vmem>>
      %dma_start3A_200 = tpu.memref_squeeze %dma_start3A_199 : memref<1x256x128xf32, #tpu.memory_space<vmem>> -> memref<256x128xf32, #tpu.memory_space<vmem>>
      tpu.enqueue_dma source(%dma_start3A_200 : memref<256x128xf32, #tpu.memory_space<vmem>>) target(%dma_start3A_196 : memref<256x128xf32, #tpu.memory_space<hbm>>) target_semaphore(%dma_start3A_194 : memref<!tpu.dma_semaphore, #tpu.memory_space<semaphore_mem>>)
    }
    %scan3A_63 = arith.constant 100 : i32
    %add3A_64 = arith.constant 24832 : i32
    %add3A_65 = arith.addi %mul3A_2, %add3A_64 : i32
    %dma_wait3A = arith.constant 0 : i32
    %dma_wait3A_66 = arith.constant 0 : i32
    %dma_wait3A_67 = arith.constant 0 : i32
    %dma_wait3A_68 = arith.constant 0 : i32
    %dma_wait3A_69 = tpu.memref_slice %arg6[%dma_wait3A, %dma_wait3A_67, %dma_wait3A_68] : memref<3x256x128xf32, #tpu.memory_space<vmem>> -> memref<1x256x128xf32, #tpu.memory_space<vmem>>
    %dma_wait3A_70 = tpu.memref_squeeze %dma_wait3A_69 : memref<1x256x128xf32, #tpu.memory_space<vmem>> -> memref<256x128xf32, #tpu.memory_space<vmem>>
    %dma_wait3A_71 = arith.constant 0 : i32
    %dma_wait3A_72 = tpu.memref_slice %arg4[%add3A_65, %dma_wait3A_71] : memref<819200x128xf32, #tpu.memory_space<hbm>> -> memref<256x128xf32, #tpu.memory_space<hbm>>
    %dma_wait3A_73 = tpu.memref_slice %arg8[%dma_wait3A_66] : memref<3x!tpu.dma_semaphore, #tpu.memory_space<semaphore_mem>> -> memref<1x!tpu.dma_semaphore, #tpu.memory_space<semaphore_mem>>
    %dma_wait3A_74 = tpu.memref_squeeze %dma_wait3A_73 : memref<1x!tpu.dma_semaphore, #tpu.memory_space<semaphore_mem>> -> memref<!tpu.dma_semaphore, #tpu.memory_space<semaphore_mem>>
    %dma_wait3A_75 = arith.constant 0 : i32
    %dma_wait3A_76 = tpu.memref_slice %arg4[%add3A_65, %dma_wait3A_75] : memref<819200x128xf32, #tpu.memory_space<hbm>> -> memref<256x128xf32, #tpu.memory_space<hbm>>
    %dma_wait3A_77 = arith.constant 0 : i32
    %dma_wait3A_78 = arith.constant 0 : i32
    %dma_wait3A_79 = tpu.memref_slice %arg6[%dma_wait3A, %dma_wait3A_77, %dma_wait3A_78] : memref<3x256x128xf32, #tpu.memory_space<vmem>> -> memref<1x256x128xf32, #tpu.memory_space<vmem>>
    %dma_wait3A_80 = tpu.memref_squeeze %dma_wait3A_79 : memref<1x256x128xf32, #tpu.memory_space<vmem>> -> memref<256x128xf32, #tpu.memory_space<vmem>>
    tpu.wait_dma2 semaphore(%dma_wait3A_74 : memref<!tpu.dma_semaphore, #tpu.memory_space<semaphore_mem>>) src(%dma_wait3A_80 : memref<256x128xf32, #tpu.memory_space<vmem>>) dst(%dma_wait3A_76 : memref<256x128xf32, #tpu.memory_space<hbm>>)
    %add3A_81 = arith.constant 25088 : i32
    %add3A_82 = arith.addi %mul3A_2, %add3A_81 : i32
    %dma_wait3A_83 = arith.constant 1 : i32
    %dma_wait3A_84 = arith.constant 1 : i32
    %dma_wait3A_85 = arith.constant 0 : i32
    %dma_wait3A_86 = arith.constant 0 : i32
    %dma_wait3A_87 = tpu.memref_slice %arg6[%dma_wait3A_83, %dma_wait3A_85, %dma_wait3A_86] : memref<3x256x128xf32, #tpu.memory_space<vmem>> -> memref<1x256x128xf32, #tpu.memory_space<vmem>>
    %dma_wait3A_88 = tpu.memref_squeeze %dma_wait3A_87 : memref<1x256x128xf32, #tpu.memory_space<vmem>> -> memref<256x128xf32, #tpu.memory_space<vmem>>
    %dma_wait3A_89 = arith.constant 0 : i32
    %dma_wait3A_90 = tpu.memref_slice %arg4[%add3A_82, %dma_wait3A_89] : memref<819200x128xf32, #tpu.memory_space<hbm>> -> memref<256x128xf32, #tpu.memory_space<hbm>>
    %dma_wait3A_91 = tpu.memref_slice %arg8[%dma_wait3A_84] : memref<3x!tpu.dma_semaphore, #tpu.memory_space<semaphore_mem>> -> memref<1x!tpu.dma_semaphore, #tpu.memory_space<semaphore_mem>>
    %dma_wait3A_92 = tpu.memref_squeeze %dma_wait3A_91 : memref<1x!tpu.dma_semaphore, #tpu.memory_space<semaphore_mem>> -> memref<!tpu.dma_semaphore, #tpu.memory_space<semaphore_mem>>
    %dma_wait3A_93 = arith.constant 0 : i32
    %dma_wait3A_94 = tpu.memref_slice %arg4[%add3A_82, %dma_wait3A_93] : memref<819200x128xf32, #tpu.memory_space<hbm>> -> memref<256x128xf32, #tpu.memory_space<hbm>>
    %dma_wait3A_95 = arith.constant 0 : i32
    %dma_wait3A_96 = arith.constant 0 : i32
    %dma_wait3A_97 = tpu.memref_slice %arg6[%dma_wait3A_83, %dma_wait3A_95, %dma_wait3A_96] : memref<3x256x128xf32, #tpu.memory_space<vmem>> -> memref<1x256x128xf32, #tpu.memory_space<vmem>>
    %dma_wait3A_98 = tpu.memref_squeeze %dma_wait3A_97 : memref<1x256x128xf32, #tpu.memory_space<vmem>> -> memref<256x128xf32, #tpu.memory_space<vmem>>
    tpu.wait_dma2 semaphore(%dma_wait3A_92 : memref<!tpu.dma_semaphore, #tpu.memory_space<semaphore_mem>>) src(%dma_wait3A_98 : memref<256x128xf32, #tpu.memory_space<vmem>>) dst(%dma_wait3A_94 : memref<256x128xf32, #tpu.memory_space<hbm>>)
    %add3A_99 = arith.constant 25344 : i32
    %add3A_100 = arith.addi %mul3A_2, %add3A_99 : i32
    %dma_wait3A_101 = arith.constant 2 : i32
    %dma_wait3A_102 = arith.constant 2 : i32
    %dma_wait3A_103 = arith.constant 0 : i32
    %dma_wait3A_104 = arith.constant 0 : i32
    %dma_wait3A_105 = tpu.memref_slice %arg6[%dma_wait3A_101, %dma_wait3A_103, %dma_wait3A_104] : memref<3x256x128xf32, #tpu.memory_space<vmem>> -> memref<1x256x128xf32, #tpu.memory_space<vmem>>
    %dma_wait3A_106 = tpu.memref_squeeze %dma_wait3A_105 : memref<1x256x128xf32, #tpu.memory_space<vmem>> -> memref<256x128xf32, #tpu.memory_space<vmem>>
    %dma_wait3A_107 = arith.constant 0 : i32
    %dma_wait3A_108 = tpu.memref_slice %arg4[%add3A_100, %dma_wait3A_107] : memref<819200x128xf32, #tpu.memory_space<hbm>> -> memref<256x128xf32, #tpu.memory_space<hbm>>
    %dma_wait3A_109 = tpu.memref_slice %arg8[%dma_wait3A_102] : memref<3x!tpu.dma_semaphore, #tpu.memory_space<semaphore_mem>> -> memref<1x!tpu.dma_semaphore, #tpu.memory_space<semaphore_mem>>
    %dma_wait3A_110 = tpu.memref_squeeze %dma_wait3A_109 : memref<1x!tpu.dma_semaphore, #tpu.memory_space<semaphore_mem>> -> memref<!tpu.dma_semaphore, #tpu.memory_space<semaphore_mem>>
    %dma_wait3A_111 = arith.constant 0 : i32
    %dma_wait3A_112 = tpu.memref_slice %arg4[%add3A_100, %dma_wait3A_111] : memref<819200x128xf32, #tpu.memory_space<hbm>> -> memref<256x128xf32, #tpu.memory_space<hbm>>
    %dma_wait3A_113 = arith.constant 0 : i32
    %dma_wait3A_114 = arith.constant 0 : i32
    %dma_wait3A_115 = tpu.memref_slice %arg6[%dma_wait3A_101, %dma_wait3A_113, %dma_wait3A_114] : memref<3x256x128xf32, #tpu.memory_space<vmem>> -> memref<1x256x128xf32, #tpu.memory_space<vmem>>
    %dma_wait3A_116 = tpu.memref_squeeze %dma_wait3A_115 : memref<1x256x128xf32, #tpu.memory_space<vmem>> -> memref<256x128xf32, #tpu.memory_space<vmem>>
    tpu.wait_dma2 semaphore(%dma_wait3A_110 : memref<!tpu.dma_semaphore, #tpu.memory_space<semaphore_mem>>) src(%dma_wait3A_116 : memref<256x128xf32, #tpu.memory_space<vmem>>) dst(%dma_wait3A_112 : memref<256x128xf32, #tpu.memory_space<hbm>>)
    return
  }
}

</mosaic_0001>

<sc_bundles>
// kernel: kernel.3.cloned.1.call-start
scs
__scs_entry_jumppad:
0x0: {  	(pc) =	sbr.rel $0x88, $3  }
0x1: {  	(tag) =	ssettag $0x0;
	lr =	simm.s32 $0x1  }
0x2: {  	[smem:$0x3F9F] =	sst lr;
	_ =	strace $0xD0000000  }
0x3: {  	_ = 	snop  }
0x4: {  	_ = 	snop  }
0x5: {  	_ = 	snop  }
0x6: {  	_ = 	snop  }
0x7: {  	_ = 	snop  }
__scs_overlays_trampoline_lowered:
0x8: {  	[smem:$0x3FAE] =	sst s0  }
0x9: {  	[smem:$0x3FAF] =	sst s1  }
0xa: {  	[smem:$0x3FB0] =	sst s2  }
0xb: {  	[smem:$0x3FB1] =	sst s3  }
0xc: {  	[smem:$0x3FB2] =	sst s4  }
0xd: {  	[smem:$0x3FB3] =	sst s5  }
0xe: {  	[smem:$0x3FB4] =	sst s6  }
0xf: {  	[smem:$0x3FB5] =	sst s7  }
0x10: {  	[smem:$0x3FB6] =	sst s8  }
0x11: {  	[smem:$0x3FB7] =	sst s9;
	s0 =	simm.s32 @!p0 $0x0  }
0x12: {  	s1 =	sld [smem:$0x3F9D];
	s0 =	simm.s32 @p0 $0x1  }
0x13: {  	[smem:$0x3FB8] =	sst s0;
	s0 =	simm.s32 @!p1 $0x0  }
0x14: {  	s2 =	sld [smem:$0x3F9C];
	s0 =	simm.s32 @p1 $0x1  }
0x15: {  	[smem:$0x3FB9] =	sst s0;
	s0 =	simm.s32 @!p2 $0x0  }
0x16: {  	s3 =	sld [smem:$0x3FDB];
	s0 =	simm.s32 @p2 $0x1  }
0x17: {  	s4 =	simm.s32 $0x1BF5;
	[smem:$0x3FBB] =	sst s0  }
0x18: {  	s0 =	sld [smem:$0x3F9E];
	_ =	swait.ge [sflag:s4], $0x0  }
0x19: {  	s7 =	sld [smem:$0x3F9F]  }
0x1a: {  	s8 =	sadd.s32 $0xFFFFE003, lr  }
0x1b: {  	s9 =	sadd.s32 $0xFFFFFEF7, lr;
	s5 =	simm.s32 $0xFFFFFFFF;
	p2 =	slt.u32 s8, $0xFFFFF086  }
0x1c: {  	p1 =	slt.u32 s9, $0xF7A;
	s5 =	simm.s32 @!p2 $0x0  }
0x1d: {  	s5 =	simm.s32 @p1 $0x1;
	p0 =	seq.s32 s7, s2  }
0x1e: {  	s7 =	smul.u32 @!p0 $0xF7A, s2;
	p2 =	seq.s32 @!p0 s5, $0x0  }
0x1f: {  	s9 =	smul.u32 $0xF7A, s1;
	s8 =	simm.s32 @!p0 $0x1BF5;
	p2 =	por !p2, p0  }
0x20: {  	[sflag:s8] =	ssyncset.s32 @!p0 $0xFFFFF086;
	s6 =	sadd.s32 @!p0 s3, s7;
	s7 =	simm.s32 @!p0 $0x108  }
0x21: {  	s3 =	sadd.s32 s3, s9;
	s6 =	sadd.s32 @!p0 $0x88, s6;
	s7 =	simm.s32 @p2 $0x1082  }
0x22: {  	[simem:s7], [sflag:s8] =	dma.local @!p0 [hbm:s6], $0xF7A  }
0x23: {  	s9 =	sor.u32 $0xD0000000, s2;
	s6 =	simm.s32 $0x108;
	_ =	swait.ge @!p0 [sflag:s8], $0x0  }
0x24: {  	s3 =	sadd.s32 $0x88, s3;
	s6 =	simm.s32 @!p1 $0x1082;
	[sflag:s4] =	ssyncset.s32 $0xFFFFF086  }
0x25: {  	[simem:s6], [sflag:s4] =	dma.local [hbm:s3], $0xF7A  }
0x26: {  	[smem:$0x3F9F] =	sst s1;
	(tag) =	ssettag s2;
	_ =	strace s9  }
0x27: {  	s1 =	sld [smem:$0x3FAF]  }
0x28: {  	s2 =	sld [smem:$0x3FB0]  }
0x29: {  	s4 =	sld [smem:$0x3FB2]  }
0x2a: {  	p0 =	seq.s32 s5, $0x0;
	s5 =	sld [smem:$0x3FB3]  }
0x2b: {  	s6 =	sld [smem:$0x3FB4]  }
0x2c: {  	s7 =	sld [smem:$0x3FB5]  }
0x2d: {  	s3 =	simm.s32 $0x108;
	s8 =	sld [smem:$0x3FB6]  }
0x2e: {  	s3 =	simm.s32 @!p0 $0x1082;
	s9 =	sld [smem:$0x3FB7]  }
0x2f: {  	lr =	sadd.s32 s0, s3;
	s0 =	sld [smem:$0x3FAE]  }
0x30: {  	s3 =	sld [smem:$0x3FB1]  }
0x31: {  	[smem:$0x3FBA] =	sst s10  }
0x32: {  	s10 =	sld [smem:$0x3FB8];
	_ =	sdelay $0x3  }
0x33: {  	p0 =	seq.s32 s10, $0x1;
	s10 =	sld [smem:$0x3FBA];
	_ =	sdelay $0x3  }
0x34: {  	[smem:$0x3FBA] =	sst s10  }
0x35: {  	s10 =	sld [smem:$0x3FB9];
	_ =	sdelay $0x3  }
0x36: {  	p1 =	seq.s32 s10, $0x1;
	s10 =	sld [smem:$0x3FBA];
	_ =	sdelay $0x3  }
0x37: {  	[smem:$0x3FBA] =	sst s10  }
0x38: {  	s10 =	sld [smem:$0x3FBB]  }
0x39: {  	_ = 	snop;
	(pc) =	sbr.ind lr, $3  }
0x3a: {  	_ = 	snop  }
0x3b: {  	_ = 	snop  }
0x3c: {  	p2 =	seq.s32 s10, $0x1;
	s10 =	sld [smem:$0x3FBA]  }
0x3d: {  	_ =	shalt  }
0x3e: {  	_ =	shalt  }
0x3f: {  	_ =	shalt  }
0x40: {  	_ =	shalt  }
0x41: {  	_ =	shalt  }
0x42: {  	_ =	shalt  }
0x43: {  	_ =	shalt  }
0x44: {  	_ =	shalt  }
0x45: {  	_ =	shalt  }
0x46: {  	_ =	shalt  }
0x47: {  	_ =	shalt  }
0x48: {  	_ =	shalt  }
0x49: {  	_ =	shalt  }
0x4a: {  	_ =	shalt  }
0x4b: {  	_ =	shalt  }
0x4c: {  	_ =	shalt  }
0x4d: {  	_ =	shalt  }
0x4e: {  	_ =	shalt  }
0x4f: {  	_ =	shalt  }
0x50: {  	_ =	shalt  }
0x51: {  	_ =	shalt  }
0x52: {  	_ =	shalt  }
0x53: {  	_ =	shalt  }
0x54: {  	_ =	shalt  }
0x55: {  	_ =	shalt  }
0x56: {  	_ =	shalt  }
0x57: {  	_ =	shalt  }
0x58: {  	_ =	shalt  }
0x59: {  	_ =	shalt  }
0x5a: {  	_ =	shalt  }
0x5b: {  	_ =	shalt  }
0x5c: {  	_ =	shalt  }
0x5d: {  	_ =	shalt  }
0x5e: {  	_ =	shalt  }
0x5f: {  	_ =	shalt  }
0x60: {  	_ =	shalt  }
0x61: {  	_ =	shalt  }
0x62: {  	_ =	shalt  }
0x63: {  	_ =	shalt  }
0x64: {  	_ =	shalt  }
0x65: {  	_ =	shalt  }
0x66: {  	_ =	shalt  }
0x67: {  	_ =	shalt  }
0x68: {  	_ =	shalt  }
0x69: {  	_ =	shalt  }
0x6a: {  	_ =	shalt  }
0x6b: {  	_ =	shalt  }
0x6c: {  	_ =	shalt  }
0x6d: {  	_ =	shalt  }
0x6e: {  	_ =	shalt  }
0x6f: {  	_ =	shalt  }
0x70: {  	_ =	shalt  }
0x71: {  	_ =	shalt  }
0x72: {  	_ =	shalt  }
0x73: {  	_ =	shalt  }
0x74: {  	_ =	shalt  }
0x75: {  	_ =	shalt  }
0x76: {  	_ =	shalt  }
0x77: {  	_ =	shalt  }
0x78: {  	_ =	shalt  }
0x79: {  	_ =	shalt  }
0x7a: {  	_ =	shalt  }
0x7b: {  	_ =	shalt  }
0x7c: {  	_ =	shalt  }
0x7d: {  	_ =	shalt  }
0x7e: {  	_ =	shalt  }
0x7f: {  	_ =	shalt  }
0x80: {  	_ =	shalt  }
0x81: {  	_ =	shalt  }
0x82: {  	_ =	shalt  }
0x83: {  	_ =	shalt  }
0x84: {  	_ =	shalt  }
0x85: {  	_ =	shalt  }
0x86: {  	_ =	shalt  }
0x87: {  	_ =	shalt  }
.Lfunc_end0:
.L_simem_size_0:
called_computation.1_lowered:
.L_overlay_start_0:
0x88: {  	s2 =	sld [smem:$0x3FD9]  }
0x89: {  	s3 =	sld [smem:$0x3FFE];
	_ =	sdelay $0x1  }
0x8a: {  	s1 =	srdreg.scid  }
0x8b: {  	s0 =	sand.u32 $0x1, s1  }
0x8c: {  	s17 =	sshll.u32 s0, $0xA;
	s2 =	sadd.s32 s3, s2  }
0x8d: {  	s2 =	sadd.s32 s2, s17  }
0x8e: {  	[smem:$0x3FC6] =	sst s2  }
0x8f: {  	_ = 	snop  }
0x90: {  	s2 =	sld [smem:$0x3FD0];
	(tm) =	ssettm $0x1  }
0x91: {  	s18 =	sld [smem:$0x3FFB];
	_ =	sdelay $0x3  }
0x92: {  	_ =	strace s18  }
0x93: {  	s3 =	sld [smem:$0x3FFC];
	_ =	sdelay $0x3  }
0x94: {  	_ =	strace s3  }
0x95: {  	s3 =	sld [smem:$0x3FFD];
	_ =	sdelay $0x3  }
0x96: {  	_ =	strace s3  }
0x97: {  	_ =	strace $0x8FFFFFFF  }
0x98: {  	s19 =	sld [smem:$0x3FDB];
	_ =	sdelay $0x1  }
0x99: {  	s4 =	simm.s32 $_scs_section_size  }
0x9a: {  	s5 =	simm.s32 $_size__tile_overlayer_lowered;
	s6 =	simm.s32 $_tile_overlayer_lowered  }
0x9b: {  	s22 =	simm.s32 $0x1BFF;
	s21 =	sshll.u32 s6, $0x1;
	s3 =	sadd.s32 s4, s19  }
0x9c: {  	s7 =	simm.s32 $0x0;
	s20 =	sshll.u32 s5, $0x1;
	s5 =	sadd.s32 s21, s3  }
0x9d: {  	[timem:s7], [sflag:s22] =	dma.local [hbm:s5], s20  }
0x9e: {  	_ =	swait.ge [sflag:s22], s20  }
0x9f: {  	s4 =	ssub.s32 $0x0, s20;
	[sflag:s22] =	ssyncset.done $0x0  }
0xa0: {  	[sflag:s22] =	ssyncadd.s32 s4;
	_ =	sdelay $0x1  }
0xa1: {  	s23 =	simm.s32 $0x1B8B  }
0xa2: {  	_ =	swait.ge [sflag:s23], $0x1  }
0xa3: {  	[sflag:s23] =	ssyncset.done $0x0  }
0xa4: {  	s25 =	simm.s32 $0x1B8E;
	s24 =	sld [smem:$0x3FFE];
	[sflag:s23] =	ssyncadd.s32 $0xFFFFFFFF  }
0xa5: {  	s26 =	simm.s32 $execute0_lowered;
	[smem:$0x3FD2] =	sst s25  }
0xa6: {  	s5 =	sshll.u32 s26, $0x1;
	_ =	strace $0x80000046;
	[dreg:$0x1] =	wrdreg $0xFFFFFFFF  }
0xa7: {  	s28 =	simm.s32 $_size_execute0_lowered;
	s3 =	sadd.s32 s3, s5;
	[dreg:$0x0] =	wrdreg $0x0  }
0xa8: {  	s5 =	sshll.u32 s28, $0x1;
	[dreg:$0x2] =	wrdreg s3  }
0xa9: {  	[dreg:$0x3] =	wrdreg s5  }
0xaa: {  	[dreg:$0x4] =	wrdreg $0xC0  }
0xab: {  	_ =	task [dreg:s7], $0x5FFFF  }
0xac: {  	[dreg:$0x1] =	wrdreg $0xFFFFFFFF  }
0xad: {  	[dreg:$0x0] =	wrdreg $0x60  }
0xae: {  	[dreg:$0x2] =	wrdreg s2  }
0xaf: {  	[dreg:$0x3] =	wrdreg s24  }
0xb0: {  	[dreg:$0x4] =	wrdreg $0x9  }
0xb1: {  	_ =	task.clear_ibuf [dreg:s7], $0x5FFFF;
	_ =	strace $0x90000046  }
0xb2: {  	s29 =	simm.s32 $0x9;
	_ =	strace $0x80000048  }
0xb3: {  	_ =	swait.ge [sflag:s29], $0x1  }
0xb4: {  	[sflag:s29] =	ssyncadd.s32 $0xFFFFFFFF  }
0xb5: {  	_ =	strace $0x90000048  }
0xb6: {  	_ =	sfence  }
0xb7: {  	s30 =	sld [smem:$0x0];
	_ =	sdelay $0x2  }
0xb8: {  	s31 =	sshll.u32 s1, $0xD;
	s1 =	sshrl.u32 s1, $0x2  }
0xb9: {  	s3 =	sand.u32 $0x4000, s31;
	s1 =	sadd.s32 s1, s30  }
0xba: {  	s0 =	sor.u32 s3, s0;
	s1 =	sshll.u32 s1, $0x11  }
0xbb: {  	s0 =	sor.u32 s1, s0  }
0xbc: {  	s0 =	sadd.s32 $0x8F2B, s0  }
0xbd: {  	[sflag:s0] =	ssyncadd.remote.s32 $0x1  }
0xbe: {  	_ =	sfence.sel $0xFFFF  }
0xbf: {  	[dreg:$0x0] =	wrdreg $0xFFFFFFFF;
	(pc) =	sbr.abs _section_cstart, $3  }
0xc0: {  	[dreg:$0x1] =	wrdreg $0xFFFFFFFF  }
0xc1: {  	_ =	task.clear_ibuf [dreg:s7], $0x2FFFF;
	_ =	strace $0x9FFFFFFF  }
0xc2: {  	(tm) =	ssettm $0x7FFFFFFF  }
0xc3: {  	_ =	shalt  }
tec
execute0_lowered:
.L_overlay_start_1:
0x0: {  	(tag) =	ssettag $0x1  }
0x1: {  	s5 =	rddreg [dreg:$0x0]  }
0x2: {  	s4 =	rddreg [dreg:$0x1]  }
0x3: {  	s0 =	rddreg [dreg:$0x2]  }
0x4: {  	s3 =	srdreg.scid;
	s1 =	stileid.u32;
	s2 =	simm.s32 $0x0  }
0x5: {  	s10 =	simm.s32 $0x6400;
	s11 =	simm.s32 $0xA400;
	s12 =	simm.s32 $0x100  }
0x6: {  	s13 =	simm.s32 $0xE400;
	s14 =	simm.s32 $0x180;
	s15 =	simm.s32 $0x12400  }
0x7: {  	s16 =	simm.s32 $0x7;
	s17 =	simm.s32 $0x8;
	s18 =	simm.s32 $0x9  }
0x8: {  	s19 =	simm.s32 $0x0;
	s3 =	sand.u32 $0x1, s3;
	s6 =	sshll.u32 s1, $0x1  }
.Ltmp0:
0x9: {  	[smem:$0x7FF] =	sst s2;
	s7 =	ssub.s32 $0x2, s3;
	(pc) =	sbr.rel .LBB2_1-.Ltmp0, $4  }
0xa: {  	s6 =	sor.u32 s3, s6;
	_ =	strace $0x80000047;
	s3 =	sadd.s32 $0xF42E00, s4  }
0xb: {  	s4 =	sadd.s32 $0xA00, s4;
	s8 =	sshrl.u32 s7, $0x1;
	s9 =	smul.u32 $0xC80, s6  }
0xc: {  	v0 =	vlaneseq.u32;
	s6 =	smul.u32 $0x320000, s6;
	s7 =	ssub.s32 s7, s8;
	s8 =	simm.s32 $0xA  }
0xd: {  	v1 =	vimm.f32 $0.0e+00;
	v0 =	vmul.u32 $0x80, v0;
	s5 =	sadd.s32 s5, s9;
	s7 =	smax.u32 s7, $0x1;
	s9 =	simm.s32 $0x80  }
.LBB2_7:
0xe: {  	_ =	swait.ge [sflag:s16], $0x8000  }
0xf: {  	[sflag:s16] =	ssyncset.done $0x0  }
0x10: {  	s19 =	sadd.s32 $0x1, s19;
	[sflag:s16] =	ssyncadd.s32 $0xFFFF8000  }
0x11: {  	p0 =	sne.s32 s19, s7;
	_ =	swait.ge [sflag:s17], $0x8000  }
.Ltmp1:
0x12: {  	[sflag:s17] =	ssyncset.done $0x0;
	(pc) =	sbr.rel @!p0 .LBB2_8-.Ltmp1, $4  }
0x13: {  	[sflag:s17] =	ssyncadd.s32 $0xFFFF8000  }
0x14: {  	_ =	swait.ge [sflag:s18], $0x8000  }
0x15: {  	[sflag:s18] =	ssyncset.done $0x0  }
0x16: {  	[sflag:s18] =	ssyncadd.s32 $0xFFFF8000  }
.LBB2_1:
0x17: {  	[tilespmem:s2], [sflag:$0xA] =	stream.linear.gather [hbm4b:s5+s2], $0x6400, $0x38;
	[tilespmem:$0x1E400] =	vst v63  }
0x18: {  	_ =	swait.ge [sflag:s8], $0x6400  }
0x19: {  	[sflag:s8] =	ssyncset.done $0x0  }
0x1a: {  	[sflag:s8] =	ssyncadd.s32 $0xFFFF9C00  }
0x1b: {  	[tilespmem:s10], [sflag:$0x1] =	stream.indirect.gather [hbm4b:s3+s9], $0x80, s2, s9, $0xb8;
	[tilespmem:$0x1E400] =	vst v63  }
0x1c: {  	_ = 	snop  }
0x1d: {  	[tilespmem:s11], [sflag:$0x2] =	stream.indirect.gather [hbm4b:s3+s9], $0x80, s9, s9, $0xb8;
	[tilespmem:$0x1E400] =	vst v63  }
.Ltmp2:
0x1e: {  	_ = 	snop;
	(pc) =	sbr.rel .LBB2_2-.Ltmp2, $4  }
0x1f: {  	_ = 	snop  }
0x20: {  	[tilespmem:s13], [sflag:$0x3] =	stream.indirect.gather [hbm4b:s3+s9], $0x80, s12, s9, $0xb8;
	[tilespmem:$0x1E400] =	vst v63  }
0x21: {  	s20 =	simm.s32 $0x0;
	s21 =	simm.s32 $0x0  }
0x22: {  	[tilespmem:s15], [sflag:$0x4] =	stream.indirect.gather [hbm4b:s3+s9], $0x80, s14, s9, $0xb8;
	[tilespmem:$0x1E400] =	vst v63  }
.LBB2_6:
0x23: {  	s24 =	sshll.u32 s21, $0xF;
	s21 =	sadd.s32 $0x1, s21  }
0x24: {  	p0 =	sne.s32 s21, $0x64  }
.Ltmp3:
0x25: {  	_ = 	snop;
	(pc) =	sbr.rel @!p0 .LBB2_7-.Ltmp3, $4  }
0x26: {  	s24 =	sadd.s32 s6, s24  }
0x27: {  	s24 =	sshrl.u32 s24, $0x3  }
0x28: {  	s22 =	sadd.s32 $0x7, s22;
	s20 =	sadd.s32 $0x100, s20;
	s24 =	sadd.s32 s4, s24  }
0x29: {  	[hbm4b:s24+s2] =	stream.linear.scatter [tilespmem:s23], [sflag:s22], $0x8000, $0x38;
	[tilespmem:$0x1E400] =	vst v63  }
.LBB2_2:
0x2a: {  	s22 =	smul.u32 $0xAB, s21;
	_ =	sdelay $0x1  }
0x2b: {  	s23 =	sadd.s32 $0x156, s22  }
0x2c: {  	s23 =	sshrl.u32 s23, $0x9  }
0x2d: {  	s23 =	sand.u32 $0x7F, s23  }
0x2e: {  	s23 =	smul.u32 $0x3, s23  }
0x2f: {  	s24 =	sadd.s32 $0x2, s21;
	p0 =	sgt.u32 s21, $0x61;
	s22 =	sshrl.u32 s22, $0x9  }
0x30: {  	p1 =	seq.s32 @!p0 s21, $0x0;
	s22 =	sand.u32 $0x7F, s22;
	s23 =	ssub.s32 s24, s23  }
0x31: {  	p1 =	por p1, p0;
	s22 =	smul.u32 $0x3, s22;
	s23 =	sand.u32 $0xFF, s23  }
0x32: {  	s29 =	simm.s32 @!p0 $0x80;
	s24 =	sshll.u32 @!p0 s24, $0x8;
	s25 =	sadd.s32 @!p1 $0x7, s23  }
0x33: {  	s22 =	ssub.s32 s21, s22;
	s24 =	sand.u32 @!p0 $0x3FFFFF00, s24;
	_ =	swait.ge @!p1 [sflag:s25], $0x8000  }
0x34: {  	s26 =	sshll.u32 @!p0 s23, $0xF;
	s28 =	sshll.u32 @!p0 s23, $0x1;
	[sflag:s25] =	ssyncset.done @!p1 $0x0  }
0x35: {  	s23 =	sshllo.u32 @!p0 s23, $0x1;
	[sflag:s25] =	ssyncadd.s32 @!p1 $0xFFFF8000;
	s25 =	sor.u32 @!p0 $0x6400, s26  }
0x36: {  	[tilespmem:s25], [sflag:s23] =	stream.indirect.gather @!p0 [hbm4b:s3+s29], $0x80, s24, s29, $0xb8;
	[tilespmem:$0x1E400] =	vst v63  }
0x37: {  	s22 =	sand.u32 $0xFF, s22;
	s23 =	sadd.s32 @!p0 $0xA400, s26  }
0x38: {  	s24 =	sor.u32 @!p0 $0x80, s24;
	s25 =	sadd.s32 @!p0 $0x2, s28;
	s28 =	sshllo.u32 s22, $0x1  }
0x39: {  	[tilespmem:s23], [sflag:s25] =	stream.indirect.gather @!p0 [hbm4b:s3+s29], $0x80, s24, s29, $0xb8;
	[tilespmem:$0x1E400] =	vst v63  }
0x3a: {  	_ =	swait.ge [sflag:s28], $0x4000  }
.Ltmp4:
0x3b: {  	s29 =	sshll.u32 s22, $0x1;
	[sflag:s28] =	ssyncset.done $0x0;
	(pc) =	sbr.rel .LBB2_3-.Ltmp4, $4  }
0x3c: {  	s30 =	sadd.s32 $0x2, s29;
	[sflag:s28] =	ssyncadd.s32 $0xFFFFC000  }
0x3d: {  	s31 =	sshll.u32 s22, $0xF;
	_ =	swait.ge [sflag:s30], $0x4000  }
0x3e: {  	s23 =	sor.u32 $0x6400, s31;
	[sflag:s30] =	ssyncset.done $0x0  }
0x3f: {  	s24 =	simm.s32 $0x0;
	s25 =	smov.u32 s20;
	[sflag:s30] =	ssyncadd.s32 $0xFFFFC000  }
.LBB2_5:
0x40: {  	s24 =	sadd.s32 $0x10, s24  }
0x41: {  	p0 =	sne.s32 s24, $0x100  }
.Ltmp5:
0x42: {  	_ = 	snop;
	(pc) =	sbr.rel @!p0 .LBB2_6-.Ltmp5, $2  }
0x43: {  	_ =	sdelay $0x2  }
0x44: {  	s25 =	sadd.s32 $0x10, s25  }
.LBB2_3:
0x45: {  	v2 =	vld [tilespmem:s25+$0x0];
	_ =	sdelay $0x4  }
0x46: {  	vm0 =	veq.s32 v2, $0x0  }
0x47: {  	v2 =	vmpcnt.ones.xlane vm0;
	_ =	sdelay $0x1  }
0x48: {  	(v2sf) =	vpush v2, $0x0;
	_ =	sdelay $0xe  }
0x49: {  	s26 =	spop (v2sf)  }
0x4a: {  	p0 =	slt.s32 s26, $0x1  }
.Ltmp6:
0x4b: {  	_ = 	snop;
	(pc) =	sbr.rel @p0 .LBB2_5-.Ltmp6, $1  }
0x4c: {  	_ =	sdelay $0x3  }
0x4d: {  	v2 =	vmov s24  }
0x4e: {  	v2 =	vshll.u32 v2, $0x7  }
0x4f: {  	v2 =	vor.u32 v0, v2  }
0x50: {  	v3 =	vor.u32 $0x1, v2  }
0x51: {  	v4 =	vor.u32 $0x2, v2  }
0x52: {  	v5 =	vor.u32 $0x3, v2  }
0x53: {  	v6 =	vor.u32 $0x4, v2  }
0x54: {  	v7 =	vor.u32 $0x5, v2;
	[tilespmem:v2+s23+$0x0] =	vst.idx.msk vm0, v1  }
0x55: {  	[tilespmem:v3+s23+$0x0] =	vst.idx.msk vm0, v1;
	v3 =	vor.u32 $0x6, v2  }
0x56: {  	v19 =	vor.u32 $0x7, v2;
	[tilespmem:v4+s23+$0x0] =	vst.idx.msk vm0, v1  }
0x57: {  	v20 =	vor.u32 $0x8, v2;
	[tilespmem:v5+s23+$0x0] =	vst.idx.msk vm0, v1  }
0x58: {  	v21 =	vor.u32 $0x9, v2;
	[tilespmem:v6+s23+$0x0] =	vst.idx.msk vm0, v1  }
0x59: {  	v22 =	vor.u32 $0xA, v2;
	[tilespmem:v7+s23+$0x0] =	vst.idx.msk vm0, v1  }
0x5a: {  	[tilespmem:v3+s23+$0x0] =	vst.idx.msk vm0, v1;
	v3 =	vor.u32 $0xB, v2  }
0x5b: {  	v23 =	vor.u32 $0xC, v2;
	[tilespmem:v19+s23+$0x0] =	vst.idx.msk vm0, v1  }
0x5c: {  	v24 =	vor.u32 $0xD, v2;
	[tilespmem:v20+s23+$0x0] =	vst.idx.msk vm0, v1  }
0x5d: {  	v25 =	vor.u32 $0xE, v2;
	[tilespmem:v21+s23+$0x0] =	vst.idx.msk vm0, v1  }
0x5e: {  	v26 =	vor.u32 $0xF, v2;
	[tilespmem:v22+s23+$0x0] =	vst.idx.msk vm0, v1  }
0x5f: {  	[tilespmem:v3+s23+$0x0] =	vst.idx.msk vm0, v1;
	v3 =	vor.u32 $0x10, v2  }
0x60: {  	v27 =	vor.u32 $0x11, v2;
	[tilespmem:v23+s23+$0x0] =	vst.idx.msk vm0, v1  }
0x61: {  	v28 =	vor.u32 $0x12, v2;
	[tilespmem:v24+s23+$0x0] =	vst.idx.msk vm0, v1  }
0x62: {  	v29 =	vor.u32 $0x13, v2;
	[tilespmem:v25+s23+$0x0] =	vst.idx.msk vm0, v1  }
0x63: {  	v30 =	vor.u32 $0x14, v2;
	[tilespmem:v26+s23+$0x0] =	vst.idx.msk vm0, v1  }
0x64: {  	[tilespmem:v3+s23+$0x0] =	vst.idx.msk vm0, v1;
	v3 =	vor.u32 $0x15, v2  }
0x65: {  	v31 =	vor.u32 $0x16, v2;
	[tilespmem:v27+s23+$0x0] =	vst.idx.msk vm0, v1  }
0x66: {  	v32 =	vor.u32 $0x17, v2;
	[tilespmem:v28+s23+$0x0] =	vst.idx.msk vm0, v1  }
0x67: {  	v33 =	vor.u32 $0x18, v2;
	[tilespmem:v29+s23+$0x0] =	vst.idx.msk vm0, v1  }
0x68: {  	v34 =	vor.u32 $0x19, v2;
	[tilespmem:v30+s23+$0x0] =	vst.idx.msk vm0, v1  }
0x69: {  	[tilespmem:v3+s23+$0x0] =	vst.idx.msk vm0, v1;
	v3 =	vor.u32 $0x1A, v2  }
0x6a: {  	v35 =	vor.u32 $0x1B, v2;
	[tilespmem:v31+s23+$0x0] =	vst.idx.msk vm0, v1  }
0x6b: {  	v36 =	vor.u32 $0x1C, v2;
	[tilespmem:v32+s23+$0x0] =	vst.idx.msk vm0, v1  }
0x6c: {  	v37 =	vor.u32 $0x1D, v2;
	[tilespmem:v33+s23+$0x0] =	vst.idx.msk vm0, v1  }
0x6d: {  	v38 =	vor.u32 $0x1E, v2;
	[tilespmem:v34+s23+$0x0] =	vst.idx.msk vm0, v1  }
0x6e: {  	[tilespmem:v3+s23+$0x0] =	vst.idx.msk vm0, v1;
	v3 =	vor.u32 $0x1F, v2  }
0x6f: {  	v39 =	vor.u32 $0x20, v2;
	[tilespmem:v35+s23+$0x0] =	vst.idx.msk vm0, v1  }
0x70: {  	v40 =	vor.u32 $0x21, v2;
	[tilespmem:v36+s23+$0x0] =	vst.idx.msk vm0, v1  }
0x71: {  	v41 =	vor.u32 $0x22, v2;
	[tilespmem:v37+s23+$0x0] =	vst.idx.msk vm0, v1  }
0x72: {  	v42 =	vor.u32 $0x23, v2;
	[tilespmem:v38+s23+$0x0] =	vst.idx.msk vm0, v1  }
0x73: {  	[tilespmem:v3+s23+$0x0] =	vst.idx.msk vm0, v1;
	v3 =	vor.u32 $0x24, v2  }
0x74: {  	v43 =	vor.u32 $0x25, v2;
	[tilespmem:v39+s23+$0x0] =	vst.idx.msk vm0, v1  }
0x75: {  	v44 =	vor.u32 $0x26, v2;
	[tilespmem:v40+s23+$0x0] =	vst.idx.msk vm0, v1  }
0x76: {  	v45 =	vor.u32 $0x27, v2;
	[tilespmem:v41+s23+$0x0] =	vst.idx.msk vm0, v1  }
0x77: {  	v46 =	vor.u32 $0x28, v2;
	[tilespmem:v42+s23+$0x0] =	vst.idx.msk vm0, v1  }
0x78: {  	[tilespmem:v3+s23+$0x0] =	vst.idx.msk vm0, v1;
	v3 =	vor.u32 $0x29, v2  }
0x79: {  	v47 =	vor.u32 $0x2A, v2;
	[tilespmem:v43+s23+$0x0] =	vst.idx.msk vm0, v1  }
0x7a: {  	v48 =	vor.u32 $0x2B, v2;
	[tilespmem:v44+s23+$0x0] =	vst.idx.msk vm0, v1  }
0x7b: {  	v49 =	vor.u32 $0x2C, v2;
	[tilespmem:v45+s23+$0x0] =	vst.idx.msk vm0, v1  }
0x7c: {  	v50 =	vor.u32 $0x2D, v2;
	[tilespmem:v46+s23+$0x0] =	vst.idx.msk vm0, v1  }
0x7d: {  	[tilespmem:v3+s23+$0x0] =	vst.idx.msk vm0, v1;
	v3 =	vor.u32 $0x2E, v2  }
0x7e: {  	v51 =	vor.u32 $0x2F, v2;
	[tilespmem:v47+s23+$0x0] =	vst.idx.msk vm0, v1  }
0x7f: {  	v52 =	vor.u32 $0x30, v2;
	[tilespmem:v48+s23+$0x0] =	vst.idx.msk vm0, v1  }
0x80: {  	v53 =	vor.u32 $0x31, v2;
	[tilespmem:v49+s23+$0x0] =	vst.idx.msk vm0, v1  }
0x81: {  	v54 =	vor.u32 $0x32, v2;
	[tilespmem:v50+s23+$0x0] =	vst.idx.msk vm0, v1  }
0x82: {  	[tilespmem:v3+s23+$0x0] =	vst.idx.msk vm0, v1;
	v3 =	vor.u32 $0x33, v2  }
0x83: {  	v55 =	vor.u32 $0x34, v2;
	[tilespmem:v51+s23+$0x0] =	vst.idx.msk vm0, v1  }
0x84: {  	v56 =	vor.u32 $0x35, v2;
	[tilespmem:v52+s23+$0x0] =	vst.idx.msk vm0, v1  }
0x85: {  	v57 =	vor.u32 $0x36, v2;
	[tilespmem:v53+s23+$0x0] =	vst.idx.msk vm0, v1  }
0x86: {  	v58 =	vor.u32 $0x37, v2;
	[tilespmem:v54+s23+$0x0] =	vst.idx.msk vm0, v1  }
0x87: {  	[tilespmem:v3+s23+$0x0] =	vst.idx.msk vm0, v1;
	v3 =	vor.u32 $0x38, v2  }
0x88: {  	v59 =	vor.u32 $0x39, v2;
	[tilespmem:v55+s23+$0x0] =	vst.idx.msk vm0, v1  }
0x89: {  	v60 =	vor.u32 $0x3A, v2;
	[tilespmem:v56+s23+$0x0] =	vst.idx.msk vm0, v1  }
0x8a: {  	v61 =	vor.u32 $0x3B, v2;
	[tilespmem:v57+s23+$0x0] =	vst.idx.msk vm0, v1  }
0x8b: {  	v62 =	vor.u32 $0x3C, v2;
	[tilespmem:v58+s23+$0x0] =	vst.idx.msk vm0, v1  }
0x8c: {  	[tilespmem:v3+s23+$0x0] =	vst.idx.msk vm0, v1;
	v3 =	vor.u32 $0x3D, v2  }
0x8d: {  	v63 =	vor.u32 $0x3E, v2;
	[tilespmem:v59+s23+$0x0] =	vst.idx.msk vm0, v1  }
0x8e: {  	v2 =	vor.u32 $0x3F, v2;
	[tilespmem:v60+s23+$0x0] =	vst.idx.msk vm0, v1  }
.Ltmp7:
0x8f: {  	[tilespmem:v61+s23+$0x0] =	vst.idx.msk vm0, v1;
	(pc) =	sbr.rel .LBB2_5-.Ltmp7, $4  }
0x90: {  	[tilespmem:v62+s23+$0x0] =	vst.idx.msk vm0, v1  }
0x91: {  	[tilespmem:v3+s23+$0x0] =	vst.idx.msk vm0, v1  }
0x92: {  	[tilespmem:v63+s23+$0x0] =	vst.idx.msk vm0, v1  }
0x93: {  	[tilespmem:v2+s23+$0x0] =	vst.idx.msk vm0, v1  }
.LBB2_8:
0x94: {  	_ =	sfence.sel $0x180000  }
0x95: {  	[bflag:$0x0] =	sbarrier.arrive $0xFFFF  }
0x96: {  	p0 =	sne.s32 s1, $0x0;
	_ =	strace $0x90000047  }
0x97: {  	s0 =	sadd.s32 @!p0 $0x100000, s0;
	[bflag:$0x2] =	sbarrier.arrive $0xFFFF  }
0x98: {  	[sflag:s0] =	ssyncadd.tile.s32 @!p0 $0x1;
	_ =	shalt  }
.Lfunc_end2:
_tile_overlayer_lowered:
.L_overlay_start_2:
0x99: {  	(tag) =	ssettag $0x2  }
0x9a: {  	s0 =	rddreg [dreg:$0x0];
	s2 =	stileid.u32  }
0x9b: {  	s1 =	rddreg [dreg:$0x1];
	p0 =	sne.s32 s2, $0x0  }
0x9c: {  	s3 =	rddreg [dreg:$0x2];
	[bflag:$0x3] =	sbarrier.arrive $0xFFFF;
	s2 =	simm.s32 @!p0 $0x1C0A  }
0x9d: {  	[timem:s3], [sflag:s2] =	dma.local @!p0 [hbm:s0], s1  }
0x9e: {  	s0 =	simm.s32 @!p0 $0xA  }
0x9f: {  	_ =	swait.ge @!p0 [sflag:s0], s1  }
0xa0: {  	s1 =	ssub.s32 @!p0 $0x0, s1;
	[sflag:s0] =	ssyncset.done @!p0 $0x0  }
0xa1: {  	[sflag:s0] =	ssyncadd.s32 @!p0 s1  }
0xa2: {  	[bflag:$0x3] =	sbarrier.arrive $0xFFFF  }
0xa3: {  	_ =	shalt  }

// kernel: sparse-core-data-format-call.cloned.1.call-start
scs
called_computation_lowered:
.L_overlay_start_0:
0x0: {  	s2 =	sld [smem:$0x3FD9]  }
0x1: {  	s3 =	sld [smem:$0x3FFE];
	_ =	sdelay $0x1  }
0x2: {  	s1 =	srdreg.scid  }
0x3: {  	s0 =	sand.u32 $0x1, s1  }
0x4: {  	s18 =	sshll.u32 s0, $0xA;
	s2 =	sadd.s32 s3, s2  }
0x5: {  	s2 =	sadd.s32 s2, s18  }
0x6: {  	[smem:$0x3FC6] =	sst s2  }
0x7: {  	_ = 	snop  }
0x8: {  	s2 =	sld [smem:$0x3FD0];
	(tm) =	ssettm $0x1  }
0x9: {  	s19 =	sld [smem:$0x3FFB];
	_ =	sdelay $0x3  }
0xa: {  	_ =	strace s19  }
0xb: {  	s3 =	sld [smem:$0x3FFC];
	_ =	sdelay $0x3  }
0xc: {  	_ =	strace s3  }
0xd: {  	s3 =	sld [smem:$0x3FFD];
	_ =	sdelay $0x3  }
0xe: {  	_ =	strace s3  }
0xf: {  	_ =	strace $0x8FFFFFFF  }
0x10: {  	s20 =	sld [smem:$0x3FDB];
	_ =	sdelay $0x1  }
0x11: {  	s4 =	simm.s32 $_scs_section_size  }
0x12: {  	s5 =	simm.s32 $_size__tile_overlayer_lowered;
	s6 =	simm.s32 $_tile_overlayer_lowered  }
0x13: {  	s23 =	simm.s32 $0x1BFF;
	s22 =	sshll.u32 s6, $0x1;
	s3 =	sadd.s32 s4, s20  }
0x14: {  	s7 =	simm.s32 $0x0;
	s21 =	sshll.u32 s5, $0x1;
	s5 =	sadd.s32 s22, s3  }
0x15: {  	[timem:s7], [sflag:s23] =	dma.local [hbm:s5], s21  }
0x16: {  	_ =	swait.ge [sflag:s23], s21  }
0x17: {  	s4 =	ssub.s32 $0x0, s21;
	[sflag:s23] =	ssyncset.done $0x0  }
0x18: {  	[sflag:s23] =	ssyncadd.s32 s4;
	_ =	sdelay $0x1  }
0x19: {  	s24 =	simm.s32 $0x1B8B  }
0x1a: {  	_ =	swait.ge [sflag:s24], $0x1  }
0x1b: {  	[sflag:s24] =	ssyncset.done $0x0  }
0x1c: {  	s26 =	simm.s32 $0x1B8E;
	s25 =	sld [smem:$0x3FFE];
	[sflag:s24] =	ssyncadd.s32 $0xFFFFFFFF  }
0x1d: {  	s27 =	simm.s32 $execute0_lowered;
	[smem:$0x3FD2] =	sst s26  }
0x1e: {  	s5 =	sshll.u32 s27, $0x1;
	_ =	strace $0x80000049;
	[dreg:$0x1] =	wrdreg $0xFFFFFFFF  }
0x1f: {  	s28 =	simm.s32 $_size_execute0_lowered;
	s3 =	sadd.s32 s3, s5;
	[dreg:$0x0] =	wrdreg $0x0  }
0x20: {  	s5 =	sshll.u32 s28, $0x1;
	[dreg:$0x2] =	wrdreg s3  }
0x21: {  	[dreg:$0x3] =	wrdreg s5  }
0x22: {  	[dreg:$0x4] =	wrdreg $0xC0  }
0x23: {  	_ =	task [dreg:s7], $0x5FFFF  }
0x24: {  	[dreg:$0x1] =	wrdreg $0xFFFFFFFF  }
0x25: {  	[dreg:$0x0] =	wrdreg $0x60  }
0x26: {  	[dreg:$0x2] =	wrdreg s25  }
0x27: {  	[dreg:$0x3] =	wrdreg s2  }
0x28: {  	[dreg:$0x4] =	wrdreg $0x9  }
0x29: {  	_ =	task.clear_ibuf [dreg:s7], $0x5FFFF;
	_ =	strace $0x90000049  }
0x2a: {  	s29 =	simm.s32 $0x9;
	_ =	strace $0x8000004B  }
0x2b: {  	_ =	swait.ge [sflag:s29], $0x1  }
0x2c: {  	[sflag:s29] =	ssyncadd.s32 $0xFFFFFFFF  }
0x2d: {  	_ =	strace $0x9000004B  }
0x2e: {  	_ =	sfence  }
0x2f: {  	s30 =	sld [smem:$0x0];
	_ =	sdelay $0x2  }
0x30: {  	s31 =	sshll.u32 s1, $0xD;
	s1 =	sshrl.u32 s1, $0x2  }
0x31: {  	s3 =	sand.u32 $0x4000, s31;
	s1 =	sadd.s32 s1, s30  }
0x32: {  	s0 =	sor.u32 s3, s0;
	s1 =	sshll.u32 s1, $0x11  }
0x33: {  	s0 =	sor.u32 s1, s0  }
0x34: {  	s0 =	sadd.s32 $0x8F2B, s0  }
0x35: {  	[sflag:s0] =	ssyncadd.remote.s32 $0x1  }
0x36: {  	_ =	sfence.sel $0xFFFF  }
0x37: {  	[dreg:$0x0] =	wrdreg $0xFFFFFFFF;
	(pc) =	sbr.abs _section_cstart, $3  }
0x38: {  	[dreg:$0x1] =	wrdreg $0xFFFFFFFF  }
0x39: {  	_ =	task.clear_ibuf [dreg:s7], $0x2FFFF;
	_ =	strace $0x9FFFFFFF  }
0x3a: {  	(tm) =	ssettm $0x7FFFFFFF  }
0x3b: {  	_ =	shalt  }
tec
execute0_lowered:
.L_overlay_start_1:
0x0: {  	(tag) =	ssettag $0x1  }
0x1: {  	s0 =	srdreg.scid  }
0x2: {  	s1 =	sshll.u32 s0, $0x4  }
0x3: {  	s0 =	stileid.u32;
	s1 =	sand.u32 $0x10, s1  }
0x4: {  	s1 =	sor.u32 s0, s1  }
0x5: {  	s6 =	rddreg [dreg:$0x0];
	s4 =	simm.s32 $0x1;
	s2 =	sshll.u32 s1, $0x7  }
0x6: {  	s7 =	simm.s32 $0x2;
	s12 =	simm.s32 $0x0;
	s1 =	ssub.s32 $0x1000, s2  }
0x7: {  	s8 =	simm.s32 $0x8000;
	s13 =	simm.s32 $0x0;
	s3 =	sand.u32 $0xF80, s1  }
0x8: {  	s9 =	simm.s32 $0x0;
	s5 =	sshrl.u32 s1, $0xC;
	p0 =	sne.s32 s3, $0x0  }
.Ltmp0:
0x9: {  	s1 =	rddreg [dreg:$0x2];
	s4 =	simm.s32 @!p0 $0x0;
	(pc) =	sbr.rel .LBB1_1-.Ltmp0, $4  }
0xa: {  	s11 =	simm.s32 $0x0;
	s3 =	rddreg [dreg:$0x1];
	s5 =	sadd.s32 s4, s5  }
0xb: {  	_ =	strace $0x8000004A;
	s4 =	simm.s32 $0x1;
	s5 =	smul.u32 $0xC8, s5  }
0xc: {  	s6 =	sadd.s32 $0xA00, s6;
	s10 =	smov.u32 s2;
	[sflag:s4] =	ssyncpa.u1 $0x0  }
0xd: {  	p0 =	por $0x0, $0x0;
	[sflag:s7] =	ssyncpa.u1 $0x0;
	s7 =	sor.u32 $0x1, s5  }
.LBB1_4:
0xe: {  	s16 =	sshll.u32 s13, $0x3;
	s17 =	sand.u32 $0x78, s13  }
0xf: {  	s30 =	sand.u32 $0x7E00, s13;
	s12 =	sshll.u32 s12, $0xF;
	s16 =	sand.u32 $0xC00, s16  }
0x10: {  	[tilespmem:s15+$0x810 ss:$0x81] =	vst.msk $0xffff, v2;
	s31 =	sand.u32 $0x7, s13;
	s16 =	sor.u32 s17, s16;
	s17 =	sadd.s32 s3, s30  }
0x11: {  	[tilespmem:s15+$0x1020 ss:$0x81] =	vst.msk $0xffff, v0;
	s13 =	sshll.u32 s31, $0x12;
	s12 =	sadd.s32 s12, s17;
	s16 =	sshrl.u32 s16, $0x3  }
0x12: {  	[tilespmem:s15+$0x0 ss:$0x81] =	vst.msk $0xffff, v1;
	s13 =	sor.u32 $0x400, s13;
	s12 =	sadd.s32 s16, s12  }
0x13: {  	[hbm4b:s12+s13] =	stream.strided.scatter [tilespmem:s14], [sflag:$0x2], $0x2000, s8, s13, $0x20;
	[tilespmem:$0x8080] =	vst v63  }
.LBB1_5:
0x14: {  	s14 =	sadd.s32 $0x1, s9  }
0x15: {  	s12 =	sadd.s32 $0x1000, s10;
	s16 =	smov.u32 s10;
	p2 =	sgt.s32 s14, $0xC7  }
0x16: {  	s16 =	smov.u32 @p2 s12  }
0x17: {  	s14 =	simm.s32 @p2 $0x0;
	p2 =	sgt.s32 s16, $0xFFF  }
0x18: {  	s16 =	smov.u32 @p2 s2;
	p2 =	sne.s32 s11, s7  }
.Ltmp1:
0x19: {  	p1 =	slt.u32 s11, $0x2;
	(pc) =	sbr.rel @!p2 .LBB1_6-.Ltmp1, $4  }
0x1a: {  	s15 =	simm.s32 @!p1 $0x2  }
0x1b: {  	s13 =	smov.u32 s10;
	p0 =	por !p0, !p0;
	_ =	swait.ge @!p1 [sflag:s15], $0x2000  }
0x1c: {  	s12 =	smov.u32 s9;
	[sflag:s15] =	ssyncset.done @!p1 $0x0;
	s9 =	smov.u32 s14  }
0x1d: {  	s11 =	sadd.s32 $0x1, s11;
	[sflag:s15] =	ssyncadd.s32 @!p1 $0xFFFFE000;
	s10 =	smov.u32 s16  }
.LBB1_1:
0x1e: {  	p1 =	sge.u32 s11, s5  }
0x1f: {  	s14 =	sand.u32 @!p1 $0x1FFFFFF, s9  }
0x20: {  	s15 =	smulhi.u32 @!p1 $0x147AE15, s14;
	_ =	sdelay $0x1  }
0x21: {  	s15 =	smul.u32 @!p1 $0xC8, s15  }
0x22: {  	s16 =	sxor.u32 @!p1 $0xFFFFFFFF, s11;
	s17 =	smul.u32 @!p1 $0xC80, s10  }
0x23: {  	s31 =	sadd.s32 $0xFFFFFFFF, s11;
	s16 =	sshll.u32 @!p1 s16, $0xD;
	s14 =	ssub.s32 @!p1 s14, s15  }
0x24: {  	s15 =	sand.u32 @!p1 $0x2000, s16;
	s16 =	sadd.s32 @!p1 s6, s17;
	s14 =	sshll.u32 @!p1 s14, $0x4  }
0x25: {  	s17 =	simm.s32 @!p1 $0x6400;
	s14 =	sadd.s32 @!p1 s14, s16;
	s16 =	simm.s32 @!p1 $0x40  }
0x26: {  	[tilespmem:s15], [sflag:$0x1] =	stream.strided.gather @!p1 [hbm4b:s14+s16], $0x2000, s17, s16, $0x38;
	[tilespmem:$0x8080] =	vst v63  }
0x27: {  	p1 =	sge.u32 s31, s5  }
.Ltmp2:
0x28: {  	_ = 	snop;
	(pc) =	sbr.rel @p1 .LBB1_5-.Ltmp2, $1  }
0x29: {  	_ =	sdelay $0x3  }
0x2a: {  	s14 =	simm.s32 $0x1  }
0x2b: {  	_ =	swait.ge [sflag:s4], $0x2000;
	s14 =	simm.s32 @!p0 $0x0  }
0x2c: {  	[sflag:s4] =	ssyncset.done $0x0;
	s15 =	sshll.u32 s14, $0xD  }
0x2d: {  	[sflag:s4] =	ssyncadd.s32 $0xFFFFE000;
	s18 =	sor.u32 $0x20, s15  }
0x2e: {  	s14 =	smul.u32 $0x8100, s14;
	v3 =	vld [tilespmem:s18+$0x10]  }
0x2f: {  	s30 =	sand.u32 $0x1, s11;
	v2 =	vld [tilespmem:s18+$0xFFFFFFF0]  }
0x30: {  	s15 =	smul.u32 $0x8100, s30;
	s14 =	sshrl.u32 s14, $0x2;
	v0 =	vld [tilespmem:s18+$0x0]  }
0x31: {  	v1 =	vld [tilespmem:s18+$0xFFFFFFE0];
	s16 =	sor.u32 $0x4000, s14  }
0x32: {  	s31 =	sshrl.u32 s15, $0x2;
	s15 =	sadd.s32 $0x0, s16  }
0x33: {  	s17 =	simm.s32 $0x4;
	s18 =	sadd.s32 $0x40, s18;
	s14 =	sor.u32 $0x4000, s31;
	[tilespmem:s15+$0x1830 ss:$0x81] =	vst.msk $0xffff, v3  }
.LBB1_3:
0x34: {  	v3 =	vld [tilespmem:s18+$0x10];
	p1 =	sne.s32 s17, $0x1FC;
	[tilespmem:s15+$0x810 ss:$0x81] =	vst.msk $0xffff, v2;
	s19 =	smov.u32 s17;
	s17 =	sadd.s32 $0x4, s17  }
.Ltmp3:
0x35: {  	v2 =	vld [tilespmem:s18+$0xFFFFFFF0];
	[tilespmem:s15+$0x1020 ss:$0x81] =	vst.msk $0xffff, v0;
	(pc) =	sbr.rel @p1 .LBB1_3-.Ltmp3, $4  }
0x36: {  	v0 =	vld [tilespmem:s18+$0x0];
	[tilespmem:s15+$0x0 ss:$0x81] =	vst.msk $0xffff, v1  }
0x37: {  	s15 =	sshra.s32 s19, $0x2;
	v1 =	vld [tilespmem:s18+$0xFFFFFFE0]  }
0x38: {  	s15 =	sadd.s32 s15, s16  }
0x39: {  	s18 =	sadd.s32 $0x40, s18;
	[tilespmem:s15+$0x1830 ss:$0x81] =	vst.msk $0xffff, v3  }
.Ltmp4:
0x3a: {  	_ = 	snop;
	(pc) =	sbr.rel .LBB1_4-.Ltmp4, $1  }
0x3b: {  	_ =	sdelay $0x3  }
.LBB1_6:
0x3c: {  	_ =	sfence.sel $0x180000  }
0x3d: {  	s2 =	simm.s32 $0x1;
	[bflag:$0x0] =	sbarrier.arrive $0xFFFF  }
0x3e: {  	s31 =	simm.s32 $0x2;
	[sflag:s2] =	ssyncpa.u1 $0x1  }
0x3f: {  	[sflag:s31] =	ssyncpa.u1 $0x1  }
0x40: {  	p0 =	sne.s32 s0, $0x0;
	_ =	strace $0x9000004A  }
0x41: {  	s0 =	sadd.s32 @!p0 $0x100000, s1;
	[bflag:$0x2] =	sbarrier.arrive $0xFFFF  }
0x42: {  	[sflag:s0] =	ssyncadd.tile.s32 @!p0 $0x1;
	_ =	shalt  }
.Lfunc_end1:
_tile_overlayer_lowered:
.L_overlay_start_2:
0x43: {  	(tag) =	ssettag $0x2  }
0x44: {  	s0 =	rddreg [dreg:$0x0];
	s2 =	stileid.u32  }
0x45: {  	s1 =	rddreg [dreg:$0x1];
	p0 =	sne.s32 s2, $0x0  }
0x46: {  	s3 =	rddreg [dreg:$0x2];
	[bflag:$0x3] =	sbarrier.arrive $0xFFFF;
	s2 =	simm.s32 @!p0 $0x1C01  }
0x47: {  	[timem:s3], [sflag:s2] =	dma.local @!p0 [hbm:s0], s1  }
0x48: {  	s0 =	simm.s32 @!p0 $0x1  }
0x49: {  	_ =	swait.ge @!p0 [sflag:s0], s1  }
0x4a: {  	s1 =	ssub.s32 @!p0 $0x0, s1;
	[sflag:s0] =	ssyncset.done @!p0 $0x0  }
0x4b: {  	[sflag:s0] =	ssyncadd.s32 @!p0 s1  }
0x4c: {  	[bflag:$0x3] =	sbarrier.arrive $0xFFFF  }
0x4d: {  	_ =	shalt  }

</sc_bundles>
